<compile_context>
chip_gen: v7x
topology: tpu7x:2x2x1
jax: 0.10.2.dev20260603
libtpu: 0.0.44.dev20260713+nightly
codegen_flags: <defaults>
</compile_context>

<pallas_src>
import functools

import jax
import jax.numpy as jnp
from jax import lax
from jax.experimental import pallas as pl
from jax.experimental.pallas import tpu as pltpu
from jax.experimental.pallas import tpu_sc as plsc

_N_NODES = 10000
_N_EDGES = 320000
_D_FEAT = 128
_D_EDGE = 4

_NC = 2
_NS = 16
_NW = _NC * _NS
_RW = 128
_NBLK = _N_EDGES // _RW
_R_LO = _NBLK // _NW
_R_HI = _R_LO + 1
_N_HI = _NBLK - _NW * _R_LO
_N_PAD = 10240
_ZPT = _N_PAD // _NS

_sc_mesh = plsc.VectorSubcoreMesh(
    core_axis_name="c", subcore_axis_name="s", num_cores=_NC, num_subcores=_NS
)


@functools.partial(
    pl.kernel,
    out_type=jax.ShapeDtypeStruct((_NC, _N_PAD), jnp.float32),
    mesh=_sc_mesh,
    scratch_types=[
        pltpu.VMEM((2, _R_HI * _RW), jnp.int32),
        pltpu.VMEM((_D_EDGE, _R_HI * _RW), jnp.float32),
        pltpu.VMEM((_N_PAD,), jnp.float32),
        pltpu.VMEM((_NS, _ZPT), jnp.float32),
        pltpu.VMEM((_ZPT,), jnp.float32),
        pltpu.VMEM_SHARED((_NS, _N_PAD), jnp.float32),
        pltpu.SemaphoreType.DMA,
        pltpu.SemaphoreType.DMA,
    ],
    compiler_params=pltpu.CompilerParams(needs_layout_passes=False),
)
def _sc_segment_sum(
    eij_hbm, ea_hbm, out_hbm, rawidx_v, rawea_v, acc_v, blk_v, red_v, grid_sh,
    sem1, sem2,
):
    c = lax.axis_index("c")
    s = lax.axis_index("s")
    wid = s * _NC + c
    blk0 = _R_LO * wid + jnp.minimum(wid, _N_HI)
    base = blk0 * _RW
    nrows = jnp.where(wid < _N_HI, _R_HI, _R_LO)

    @pl.when(wid < _N_HI)
    def _():
        d1 = pltpu.async_copy(
            eij_hbm.at[:, pl.ds(base, _R_HI * _RW)], rawidx_v, sem1
        )
        d2 = pltpu.async_copy(
            ea_hbm.at[:, pl.ds(base, _R_HI * _RW)], rawea_v, sem2
        )
        d1.wait()
        d2.wait()

    @pl.when(wid >= _N_HI)
    def _():
        d1 = pltpu.async_copy(
            eij_hbm.at[:, pl.ds(base, _R_LO * _RW)],
            rawidx_v.at[:, pl.ds(0, _R_LO * _RW)],
            sem1,
        )
        d2 = pltpu.async_copy(
            ea_hbm.at[:, pl.ds(base, _R_LO * _RW)],
            rawea_v.at[:, pl.ds(0, _R_LO * _RW)],
            sem2,
        )
        d1.wait()
        d2.wait()

    zeros16 = jnp.zeros((16,), jnp.float32)

    def zero(i, carry):
        acc_v[pl.ds(i * 16, 16)] = zeros16
        return carry

    lax.fori_loop(0, _N_PAD // 16, zero, 0)

    def scatter(t, carry):
        idx16 = rawidx_v[0, pl.ds(t * 16, 16)]
        val16 = rawea_v[1, pl.ds(t * 16, 16)]
        plsc.addupdate_scatter(acc_v, [idx16], val16)
        return carry

    lax.fori_loop(0, nrows * (_RW // 16), scatter, 0)

    pltpu.sync_copy(acc_v, grid_sh.at[s])
    plsc.subcore_barrier()

    pltpu.sync_copy(grid_sh.at[:, pl.ds(s * _ZPT, _ZPT)], blk_v)

    for k in range(_NS):
        if k == 0:
            def seed(i, carry):
                red_v[pl.ds(i * 16, 16)] = blk_v[0, pl.ds(i * 16, 16)]
                return carry
            lax.fori_loop(0, _ZPT // 16, seed, 0)
        else:
            def add_row(i, carry, k=k):
                red_v[pl.ds(i * 16, 16)] = (
                    red_v[pl.ds(i * 16, 16)] + blk_v[k, pl.ds(i * 16, 16)]
                )
                return carry
            lax.fori_loop(0, _ZPT // 16, add_row, 0)

    pltpu.sync_copy(red_v, out_hbm.at[c, pl.ds(s * _ZPT, _ZPT)])


def _tc_body(x_ref, p_ref, o_ref):
    pt = jnp.transpose(p_ref[...])
    cbar = pt[:_N_NODES, 0:1] + pt[:_N_NODES, 1:2]
    x = x_ref[...]
    o_ref[:, :_D_FEAT] = x
    o_ref[:, _D_FEAT:] = x * cbar


def _tc_fuse(x, partials):
    return pl.pallas_call(
        _tc_body,
        out_shape=jax.ShapeDtypeStruct((_N_NODES, 2 * _D_FEAT), jnp.float32),
    )(x, partials)


def kernel(node_attr, edgeij_pair, edge_attr, g, batch):
    partials = _sc_segment_sum(edgeij_pair, edge_attr.T)
    return _tc_fuse(node_attr, partials)

# --- scband reference (transcript-rebuilt; emitter-appended) ---
"""Pipeline reference for scband-vertex-update-70162585747756 (READ-ONLY COPY).

The authoritative reference and input builder live on the scoring server;
editing this copy changes nothing except your own understanding.
"""

import jax, jax.numpy as jnp
import numpy as np

N_NODES = 10000
N_EDGES = 320000
D_FEAT = 128
D_EDGE = 4


def setup_inputs(seed: int = 0) -> dict:
    key = jax.random.key(seed)
    k1, k2, k3 = jax.random.split(key, 3)
    node_attr = jax.random.normal(k1, (N_NODES, D_FEAT), dtype=jnp.float32)
    edgeij_pair = jax.random.randint(k2, (2, N_EDGES), 0, N_NODES, dtype=jnp.int32)
    edge_attr = jax.random.normal(k3, (N_EDGES, D_EDGE), dtype=jnp.float32)
    g = jnp.zeros((1,), dtype=jnp.float32)
    batch = jnp.zeros((N_NODES,), dtype=jnp.int32)
    return {"node_attr": node_attr, "edgeij_pair": edgeij_pair, "edge_attr": edge_attr, "g": g, "batch": batch}


def edge_to_vertex_aggregation(edgeij_pair, edge_attr, num_nodes):
    # cij = edge_attr[:, 1]; scatter-sum over destination index edgeij_pair[0]
    cij = edge_attr[:, 1]
    cbar_i = jax.ops.segment_sum(cij, edgeij_pair[0], num_segments=num_nodes)
    return cbar_i.reshape((-1, 1))


def reference(node_attr, edgeij_pair, edge_attr, g, batch):
    xi = node_attr
    cij = edge_attr
    cbar_i = edge_to_vertex_aggregation(edgeij_pair, cij, xi.shape[0])
    yi = xi * cbar_i
    return jnp.concatenate([xi, yi], axis=1)

if __name__ == "__main__":
    import jax
    _d = setup_inputs()
    print(jax.jit(kernel)(*tuple(_d.values())))

</pallas_src>

<mosaic_0001>
#map = affine_map<(d0, d1) -> (0, 0)>
module attributes {stable_mosaic.version = 14 : i64} {
  func.func @_sc_segment_sum(%arg0: i32, %arg1: i32, %arg2: memref<2x320000xi32, #tpu.memory_space<hbm>>, %arg3: memref<4x320000xf32, #tpu.memory_space<hbm>>, %arg4: memref<2x10240xf32, #tpu.memory_space<hbm>>, %arg5: memref<2x10112xi32, #tpu.memory_space<vmem>>, %arg6: memref<4x10112xf32, #tpu.memory_space<vmem>>, %arg7: memref<10240xf32, #tpu.memory_space<vmem>>, %arg8: memref<16x640xf32, #tpu.memory_space<vmem>>, %arg9: memref<640xf32, #tpu.memory_space<vmem>>, %arg10: memref<16x10240xf32, #tpu.memory_space<vmem_shared>>, %arg11: memref<!tpu.dma_semaphore, #tpu.memory_space<semaphore_mem>>, %arg12: memref<!tpu.dma_semaphore, #tpu.memory_space<semaphore_mem>>) attributes {dimension_semantics = [#tpu.dimension_semantics<core_parallel>, #tpu.dimension_semantics<subcore_parallel>], iteration_bounds = array<i64: 2, 16>, scalar_prefetch = 0 : i64, scratch_operands = 8 : i64, tpu.core_type = #tpu.core_type<sc_vector_subcore>, window_params = [{transform_indices = #map}, {transform_indices = #map}, {transform_indices = #map}]} {
    %mul3A = arith.constant 2 : i32
    %mul3A_0 = arith.muli %arg1, %mul3A : i32
    %add3A = arith.addi %mul3A_0, %arg0 : i32
    %mul3A_1 = arith.constant 78 : i32
    %mul3A_2 = arith.muli %mul3A_1, %add3A : i32
    %min3A = arith.constant 4 : i32
    %min3A_3 = arith.minsi %add3A, %min3A : i32
    %add3A_4 = arith.addi %mul3A_2, %min3A_3 : i32
    %mul3A_5 = arith.constant 128 : i32
    %mul3A_6 = arith.muli %add3A_4, %mul3A_5 : i32
    %lt3A = arith.constant 4 : i32
    %lt3A_7 = arith.cmpi slt, %add3A, %lt3A : i32
    %jit3A = arith.constant 79 : i32
    %jit3A_8 = arith.constant 78 : i32
    %select_n3A = arith.select %lt3A_7, %jit3A, %jit3A_8 : i32
    %lt3A_9 = arith.constant 4 : i32
    %lt3A_10 = arith.cmpi slt, %add3A, %lt3A_9 : i32
    %convert_element_type3A = arith.extui %lt3A_10 : i1 to i32
    %cond3A = arith.constant 0 : i32
    %cond3A_11 = arith.cmpi ne, %convert_element_type3A, %cond3A : i32
    scf.if %cond3A_11 {
      %dma_start3A = arith.constant 0 : i32
      %dma_start3A_133 = tpu.memref_slice %arg2[%dma_start3A, %mul3A_6] : memref<2x320000xi32, #tpu.memory_space<hbm>> -> memref<2x10112xi32, #tpu.memory_space<hbm>>
      %dma_start3A_134 = arith.constant 0 : i32
      %dma_start3A_135 = tpu.memref_slice %arg2[%dma_start3A_134, %mul3A_6] : memref<2x320000xi32, #tpu.memory_space<hbm>> -> memref<2x10112xi32, #tpu.memory_space<hbm>>
      tpu.enqueue_dma source(%dma_start3A_135 : memref<2x10112xi32, #tpu.memory_space<hbm>>) target(%arg5 : memref<2x10112xi32, #tpu.memory_space<vmem>>) target_semaphore(%arg11 : memref<!tpu.dma_semaphore, #tpu.memory_space<semaphore_mem>>)
      %dma_start3A_136 = arith.constant 0 : i32
      %dma_start3A_137 = tpu.memref_slice %arg3[%dma_start3A_136, %mul3A_6] : memref<4x320000xf32, #tpu.memory_space<hbm>> -> memref<4x10112xf32, #tpu.memory_space<hbm>>
      %dma_start3A_138 = arith.constant 0 : i32
      %dma_start3A_139 = tpu.memref_slice %arg3[%dma_start3A_138, %mul3A_6] : memref<4x320000xf32, #tpu.memory_space<hbm>> -> memref<4x10112xf32, #tpu.memory_space<hbm>>
      tpu.enqueue_dma source(%dma_start3A_139 : memref<4x10112xf32, #tpu.memory_space<hbm>>) target(%arg6 : memref<4x10112xf32, #tpu.memory_space<vmem>>) target_semaphore(%arg12 : memref<!tpu.dma_semaphore, #tpu.memory_space<semaphore_mem>>)
      %dma_wait3A = arith.constant 0 : i32
      %dma_wait3A_140 = tpu.memref_slice %arg2[%dma_wait3A, %mul3A_6] : memref<2x320000xi32, #tpu.memory_space<hbm>> -> memref<2x10112xi32, #tpu.memory_space<hbm>>
      %dma_wait3A_141 = arith.constant 0 : i32
      %dma_wait3A_142 = tpu.memref_slice %arg2[%dma_wait3A_141, %mul3A_6] : memref<2x320000xi32, #tpu.memory_space<hbm>> -> memref<2x10112xi32, #tpu.memory_space<hbm>>
      tpu.wait_dma2 semaphore(%arg11 : memref<!tpu.dma_semaphore, #tpu.memory_space<semaphore_mem>>) src(%dma_wait3A_142 : memref<2x10112xi32, #tpu.memory_space<hbm>>) dst(%arg5 : memref<2x10112xi32, #tpu.memory_space<vmem>>)
      %dma_wait3A_143 = arith.constant 0 : i32
      %dma_wait3A_144 = tpu.memref_slice %arg3[%dma_wait3A_143, %mul3A_6] : memref<4x320000xf32, #tpu.memory_space<hbm>> -> memref<4x10112xf32, #tpu.memory_space<hbm>>
      %dma_wait3A_145 = arith.constant 0 : i32
      %dma_wait3A_146 = tpu.memref_slice %arg3[%dma_wait3A_145, %mul3A_6] : memref<4x320000xf32, #tpu.memory_space<hbm>> -> memref<4x10112xf32, #tpu.memory_space<hbm>>
      tpu.wait_dma2 semaphore(%arg12 : memref<!tpu.dma_semaphore, #tpu.memory_space<semaphore_mem>>) src(%dma_wait3A_146 : memref<4x10112xf32, #tpu.memory_space<hbm>>) dst(%arg6 : memref<4x10112xf32, #tpu.memory_space<vmem>>)
    } else {
    }
    %ge3A = arith.constant 4 : i32
    %ge3A_12 = arith.cmpi sge, %add3A, %ge3A : i32
    %convert_element_type3A_13 = arith.extui %ge3A_12 : i1 to i32
    %cond3A_14 = arith.constant 0 : i32
    %cond3A_15 = arith.cmpi ne, %convert_element_type3A_13, %cond3A_14 : i32
    scf.if %cond3A_15 {
      %dma_start3A = arith.constant 0 : i32
      %dma_start3A_133 = arith.constant 0 : i32
      %dma_start3A_134 = tpu.memref_slice %arg5[%dma_start3A, %dma_start3A_133] : memref<2x10112xi32, #tpu.memory_space<vmem>> -> memref<2x9984xi32, #tpu.memory_space<vmem>>
      %dma_start3A_135 = arith.constant 0 : i32
      %dma_start3A_136 = tpu.memref_slice %arg2[%dma_start3A_135, %mul3A_6] : memref<2x320000xi32, #tpu.memory_space<hbm>> -> memref<2x9984xi32, #tpu.memory_space<hbm>>
      %dma_start3A_137 = arith.constant 0 : i32
      %dma_start3A_138 = arith.constant 0 : i32
      %dma_start3A_139 = tpu.memref_slice %arg5[%dma_start3A_137, %dma_start3A_138] : memref<2x10112xi32, #tpu.memory_space<vmem>> -> memref<2x9984xi32, #tpu.memory_space<vmem>>
      %dma_start3A_140 = arith.constant 0 : i32
      %dma_start3A_141 = tpu.memref_slice %arg2[%dma_start3A_140, %mul3A_6] : memref<2x320000xi32, #tpu.memory_space<hbm>> -> memref<2x9984xi32, #tpu.memory_space<hbm>>
      tpu.enqueue_dma source(%dma_start3A_141 : memref<2x9984xi32, #tpu.memory_space<hbm>>) target(%dma_start3A_139 : memref<2x9984xi32, #tpu.memory_space<vmem>>) target_semaphore(%arg11 : memref<!tpu.dma_semaphore, #tpu.memory_space<semaphore_mem>>)
      %dma_start3A_142 = arith.constant 0 : i32
      %dma_start3A_143 = arith.constant 0 : i32
      %dma_start3A_144 = tpu.memref_slice %arg6[%dma_start3A_142, %dma_start3A_143] : memref<4x10112xf32, #tpu.memory_space<vmem>> -> memref<4x9984xf32, #tpu.memory_space<vmem>>
      %dma_start3A_145 = arith.constant 0 : i32
      %dma_start3A_146 = tpu.memref_slice %arg3[%dma_start3A_145, %mul3A_6] : memref<4x320000xf32, #tpu.memory_space<hbm>> -> memref<4x9984xf32, #tpu.memory_space<hbm>>
      %dma_start3A_147 = arith.constant 0 : i32
      %dma_start3A_148 = arith.constant 0 : i32
      %dma_start3A_149 = tpu.memref_slice %arg6[%dma_start3A_147, %dma_start3A_148] : memref<4x10112xf32, #tpu.memory_space<vmem>> -> memref<4x9984xf32, #tpu.memory_space<vmem>>
      %dma_start3A_150 = arith.constant 0 : i32
      %dma_start3A_151 = tpu.memref_slice %arg3[%dma_start3A_150, %mul3A_6] : memref<4x320000xf32, #tpu.memory_space<hbm>> -> memref<4x9984xf32, #tpu.memory_space<hbm>>
      tpu.enqueue_dma source(%dma_start3A_151 : memref<4x9984xf32, #tpu.memory_space<hbm>>) target(%dma_start3A_149 : memref<4x9984xf32, #tpu.memory_space<vmem>>) target_semaphore(%arg12 : memref<!tpu.dma_semaphore, #tpu.memory_space<semaphore_mem>>)
      %dma_wait3A = arith.constant 0 : i32
      %dma_wait3A_152 = arith.constant 0 : i32
      %dma_wait3A_153 = tpu.memref_slice %arg5[%dma_wait3A, %dma_wait3A_152] : memref<2x10112xi32, #tpu.memory_space<vmem>> -> memref<2x9984xi32, #tpu.memory_space<vmem>>
      %dma_wait3A_154 = arith.constant 0 : i32
      %dma_wait3A_155 = tpu.memref_slice %arg2[%dma_wait3A_154, %mul3A_6] : memref<2x320000xi32, #tpu.memory_space<hbm>> -> memref<2x9984xi32, #tpu.memory_space<hbm>>
      %dma_wait3A_156 = arith.constant 0 : i32
      %dma_wait3A_157 = arith.constant 0 : i32
      %dma_wait3A_158 = tpu.memref_slice %arg5[%dma_wait3A_156, %dma_wait3A_157] : memref<2x10112xi32, #tpu.memory_space<vmem>> -> memref<2x9984xi32, #tpu.memory_space<vmem>>
      %dma_wait3A_159 = arith.constant 0 : i32
      %dma_wait3A_160 = tpu.memref_slice %arg2[%dma_wait3A_159, %mul3A_6] : memref<2x320000xi32, #tpu.memory_space<hbm>> -> memref<2x9984xi32, #tpu.memory_space<hbm>>
      tpu.wait_dma2 semaphore(%arg11 : memref<!tpu.dma_semaphore, #tpu.memory_space<semaphore_mem>>) src(%dma_wait3A_160 : memref<2x9984xi32, #tpu.memory_space<hbm>>) dst(%dma_wait3A_158 : memref<2x9984xi32, #tpu.memory_space<vmem>>)
      %dma_wait3A_161 = arith.constant 0 : i32
      %dma_wait3A_162 = arith.constant 0 : i32
      %dma_wait3A_163 = tpu.memref_slice %arg6[%dma_wait3A_161, %dma_wait3A_162] : memref<4x10112xf32, #tpu.memory_space<vmem>> -> memref<4x9984xf32, #tpu.memory_space<vmem>>
      %dma_wait3A_164 = arith.constant 0 : i32
      %dma_wait3A_165 = tpu.memref_slice %arg3[%dma_wait3A_164, %mul3A_6] : memref<4x320000xf32, #tpu.memory_space<hbm>> -> memref<4x9984xf32, #tpu.memory_space<hbm>>
      %dma_wait3A_166 = arith.constant 0 : i32
      %dma_wait3A_167 = arith.constant 0 : i32
      %dma_wait3A_168 = tpu.memref_slice %arg6[%dma_wait3A_166, %dma_wait3A_167] : memref<4x10112xf32, #tpu.memory_space<vmem>> -> memref<4x9984xf32, #tpu.memory_space<vmem>>
      %dma_wait3A_169 = arith.constant 0 : i32
      %dma_wait3A_170 = tpu.memref_slice %arg3[%dma_wait3A_169, %mul3A_6] : memref<4x320000xf32, #tpu.memory_space<hbm>> -> memref<4x9984xf32, #tpu.memory_space<hbm>>
      tpu.wait_dma2 semaphore(%arg12 : memref<!tpu.dma_semaphore, #tpu.memory_space<semaphore_mem>>) src(%dma_wait3A_170 : memref<4x9984xf32, #tpu.memory_space<hbm>>) dst(%dma_wait3A_168 : memref<4x9984xf32, #tpu.memory_space<vmem>>)
    } else {
    }
    %broadcast_in_dim3A = arith.constant 0.000000e+00 : f32
    %broadcast_in_dim3A_16 = vector.broadcast %broadcast_in_dim3A : f32 to vector<16xf32>
    %scan3A = arith.constant 0 : i32
    %scan3A_17 = arith.constant 0 : i32
    %scan3A_18 = arith.constant 640 : i32
    %scan3A_19 = arith.addi %scan3A_17, %scan3A_18 : i32
    %scan3A_20 = arith.constant 1 : i32
    scf.for %scan3A_133 = %scan3A_17 to %scan3A_19 step %scan3A_20  : i32 {
      %mul3A_134 = arith.constant 16 : i32
      %mul3A_135 = arith.muli %scan3A_133, %mul3A_134 : i32
      %swap3A = arith.index_cast %mul3A_135 : i32 to index
      %swap3A_136 = tpu.vector_load %arg7[%swap3A] {strides = array<i32>} : memref<10240xf32, #tpu.memory_space<vmem>>, vector<16xf32>,
      tpu.vector_store %arg7[%swap3A], %broadcast_in_dim3A_16 {strides = array<i32>} : memref<10240xf32, #tpu.memory_space<vmem>>, vector<16xf32>,
    }
    %scan3A_21 = arith.constant 640 : i32
    %mul3A_22 = arith.constant 8 : i32
    %mul3A_23 = arith.muli %select_n3A, %mul3A_22 : i32
    %while3A = arith.constant 0 : i32
    %while3A_24 = arith.constant 0 : i32
    %while3A_25 = arith.subi %mul3A_23, %while3A_24 : i32
    %while3A_26 = arith.addi %while3A_24, %while3A_25 : i32
    %while3A_27 = arith.constant 1 : i32
    %while3A_28 = arith.divsi %while3A_25, %while3A_27 : i32
    %while3A_29 = arith.muli %while3A_28, %while3A_27 : i32
    %while3A_30 = arith.addi %while3A_24, %while3A_29 : i32
    %while3A_31 = arith.constant 1 : i32
    scf.for %while3A_133 = %while3A_24 to %while3A_30 step %while3A_31  : i32 {
      %mul3A_134 = arith.constant 16 : i32
      %mul3A_135 = arith.muli %while3A_133, %mul3A_134 : i32
      %get3A = arith.constant 0 : i32
      %get3A_136 = arith.index_cast %get3A : i32 to index
      %get3A_137 = arith.index_cast %mul3A_135 : i32 to index
      %get3A_138 = tpu.vector_load %arg5[%get3A_136, %get3A_137] {strides = array<i32>} : memref<2x10112xi32, #tpu.memory_space<vmem>>, vector<16xi32>,
      %mul3A_139 = arith.constant 16 : i32
      %mul3A_140 = arith.muli %while3A_133, %mul3A_139 : i32
      %get3A_141 = arith.constant 1 : i32
      %get3A_142 = arith.index_cast %get3A_141 : i32 to index
      %get3A_143 = arith.index_cast %mul3A_140 : i32 to index
      %get3A_144 = tpu.vector_load %arg6[%get3A_142, %get3A_143] {strides = array<i32>} : memref<4x10112xf32, #tpu.memory_space<vmem>>, vector<16xf32>,
      tpu.vector_store_idx %arg7[%get3A_138], %get3A_144 {add = true} : memref<10240xf32, #tpu.memory_space<vmem>>[vector<16xi32>], vector<16xf32>,
    }
    %while3A_32 = arith.constant 1 : i32
    scf.for %while3A_133 = %while3A_30 to %while3A_26 step %while3A_32  : i32 {
      %mul3A_134 = arith.constant 16 : i32
      %mul3A_135 = arith.muli %while3A_133, %mul3A_134 : i32
      %get3A = arith.constant 0 : i32
      %get3A_136 = arith.index_cast %get3A : i32 to index
      %get3A_137 = arith.index_cast %mul3A_135 : i32 to index
      %get3A_138 = tpu.vector_load %arg5[%get3A_136, %get3A_137] {strides = array<i32>} : memref<2x10112xi32, #tpu.memory_space<vmem>>, vector<16xi32>,
      %mul3A_139 = arith.constant 16 : i32
      %mul3A_140 = arith.muli %while3A_133, %mul3A_139 : i32
      %get3A_141 = arith.constant 1 : i32
      %get3A_142 = arith.index_cast %get3A_141 : i32 to index
      %get3A_143 = arith.index_cast %mul3A_140 : i32 to index
      %get3A_144 = tpu.vector_load %arg6[%get3A_142, %get3A_143] {strides = array<i32>} : memref<4x10112xf32, #tpu.memory_space<vmem>>, vector<16xf32>,
      tpu.vector_store_idx %arg7[%get3A_138], %get3A_144 {add = true} : memref<10240xf32, #tpu.memory_space<vmem>>[vector<16xi32>], vector<16xf32>,
    }
    "tpu.region"() ({
      %run_scoped3A = tpu.sem_alloc : memref<!tpu.dma_semaphore, #tpu.memory_space<semaphore_mem>>
      %dma_start3A = arith.constant 0 : i32
      %dma_start3A_133 = tpu.memref_slice %arg10[%arg1, %dma_start3A] : memref<16x10240xf32, #tpu.memory_space<vmem_shared>> -> memref<1x10240xf32, #tpu.memory_space<vmem_shared>>
      %dma_start3A_134 = tpu.memref_squeeze %dma_start3A_133 : memref<1x10240xf32, #tpu.memory_space<vmem_shared>> -> memref<10240xf32, #tpu.memory_space<vmem_shared>>
      %dma_start3A_135 = arith.constant 0 : i32
      %dma_start3A_136 = tpu.memref_slice %arg10[%arg1, %dma_start3A_135] : memref<16x10240xf32, #tpu.memory_space<vmem_shared>> -> memref<1x10240xf32, #tpu.memory_space<vmem_shared>>
      %dma_start3A_137 = tpu.memref_squeeze %dma_start3A_136 : memref<1x10240xf32, #tpu.memory_space<vmem_shared>> -> memref<10240xf32, #tpu.memory_space<vmem_shared>>
      tpu.enqueue_dma source(%arg7 : memref<10240xf32, #tpu.memory_space<vmem>>) target(%dma_start3A_137 : memref<10240xf32, #tpu.memory_space<vmem_shared>>) target_semaphore(%run_scoped3A : memref<!tpu.dma_semaphore, #tpu.memory_space<semaphore_mem>>)
      %dma_wait3A = arith.constant 0 : i32
      %dma_wait3A_138 = tpu.memref_slice %arg10[%arg1, %dma_wait3A] : memref<16x10240xf32, #tpu.memory_space<vmem_shared>> -> memref<1x10240xf32, #tpu.memory_space<vmem_shared>>
      %dma_wait3A_139 = tpu.memref_squeeze %dma_wait3A_138 : memref<1x10240xf32, #tpu.memory_space<vmem_shared>> -> memref<10240xf32, #tpu.memory_space<vmem_shared>>
      %dma_wait3A_140 = arith.constant 0 : i32
      %dma_wait3A_141 = tpu.memref_slice %arg10[%arg1, %dma_wait3A_140] : memref<16x10240xf32, #tpu.memory_space<vmem_shared>> -> memref<1x10240xf32, #tpu.memory_space<vmem_shared>>
      %dma_wait3A_142 = tpu.memref_squeeze %dma_wait3A_141 : memref<1x10240xf32, #tpu.memory_space<vmem_shared>> -> memref<10240xf32, #tpu.memory_space<vmem_shared>>
      tpu.wait_dma2 semaphore(%run_scoped3A : memref<!tpu.dma_semaphore, #tpu.memory_space<semaphore_mem>>) src(%arg7 : memref<10240xf32, #tpu.memory_space<vmem>>) dst(%dma_wait3A_142 : memref<10240xf32, #tpu.memory_space<vmem_shared>>)
      tpu.yield
    }) : () -> ()
    %barrier3A = arith.constant 0 : index
    tpu.barrier barrier_id(%barrier3A)
    %mul3A_33 = arith.constant 640 : i32
    %mul3A_34 = arith.muli %arg1, %mul3A_33 : i32
    "tpu.region"() ({
      %run_scoped3A = tpu.sem_alloc : memref<!tpu.dma_semaphore, #tpu.memory_space<semaphore_mem>>
      %dma_start3A = arith.constant 0 : i32
      %dma_start3A_133 = tpu.memref_slice %arg10[%dma_start3A, %mul3A_34] : memref<16x10240xf32, #tpu.memory_space<vmem_shared>> -> memref<16x640xf32, #tpu.memory_space<vmem_shared>>
      %dma_start3A_134 = arith.constant 0 : i32
      %dma_start3A_135 = tpu.memref_slice %arg10[%dma_start3A_134, %mul3A_34] : memref<16x10240xf32, #tpu.memory_space<vmem_shared>> -> memref<16x640xf32, #tpu.memory_space<vmem_shared>>
      tpu.enqueue_dma source(%dma_start3A_135 : memref<16x640xf32, #tpu.memory_space<vmem_shared>>) target(%arg8 : memref<16x640xf32, #tpu.memory_space<vmem>>) target_semaphore(%run_scoped3A : memref<!tpu.dma_semaphore, #tpu.memory_space<semaphore_mem>>)
      %dma_wait3A = arith.constant 0 : i32
      %dma_wait3A_136 = tpu.memref_slice %arg10[%dma_wait3A, %mul3A_34] : memref<16x10240xf32, #tpu.memory_space<vmem_shared>> -> memref<16x640xf32, #tpu.memory_space<vmem_shared>>
      %dma_wait3A_137 = arith.constant 0 : i32
      %dma_wait3A_138 = tpu.memref_slice %arg10[%dma_wait3A_137, %mul3A_34] : memref<16x10240xf32, #tpu.memory_space<vmem_shared>> -> memref<16x640xf32, #tpu.memory_space<vmem_shared>>
      tpu.wait_dma2 semaphore(%run_scoped3A : memref<!tpu.dma_semaphore, #tpu.memory_space<semaphore_mem>>) src(%dma_wait3A_138 : memref<16x640xf32, #tpu.memory_space<vmem_shared>>) dst(%arg8 : memref<16x640xf32, #tpu.memory_space<vmem>>)
      tpu.yield
    }) : () -> ()
    %scan3A_35 = arith.constant 0 : i32
    %scan3A_36 = arith.constant 0 : i32
    %scan3A_37 = arith.constant 40 : i32
    %scan3A_38 = arith.addi %scan3A_36, %scan3A_37 : i32
    %scan3A_39 = arith.constant 1 : i32
    scf.for %scan3A_133 = %scan3A_36 to %scan3A_38 step %scan3A_39  : i32 {
      %mul3A_134 = arith.constant 16 : i32
      %mul3A_135 = arith.muli %scan3A_133, %mul3A_134 : i32
      %get3A = arith.constant 0 : i32
      %get3A_136 = arith.index_cast %get3A : i32 to index
      %get3A_137 = arith.index_cast %mul3A_135 : i32 to index
      %get3A_138 = tpu.vector_load %arg8[%get3A_136, %get3A_137] {strides = array<i32>} : memref<16x640xf32, #tpu.memory_space<vmem>>, vector<16xf32>,
      %mul3A_139 = arith.constant 16 : i32
      %mul3A_140 = arith.muli %scan3A_133, %mul3A_139 : i32
      %swap3A = arith.index_cast %mul3A_140 : i32 to index
      %swap3A_141 = tpu.vector_load %arg9[%swap3A] {strides = array<i32>} : memref<640xf32, #tpu.memory_space<vmem>>, vector<16xf32>,
      tpu.vector_store %arg9[%swap3A], %get3A_138 {strides = array<i32>} : memref<640xf32, #tpu.memory_space<vmem>>, vector<16xf32>,
    }
    %scan3A_40 = arith.constant 40 : i32
    %scan3A_41 = arith.constant 0 : i32
    %scan3A_42 = arith.constant 0 : i32
    %scan3A_43 = arith.constant 40 : i32
    %scan3A_44 = arith.addi %scan3A_42, %scan3A_43 : i32
    %scan3A_45 = arith.constant 1 : i32
    scf.for %scan3A_133 = %scan3A_42 to %scan3A_44 step %scan3A_45  : i32 {
      %mul3A_134 = arith.constant 16 : i32
      %mul3A_135 = arith.muli %scan3A_133, %mul3A_134 : i32
      %get3A = arith.index_cast %mul3A_135 : i32 to index
      %get3A_136 = tpu.vector_load %arg9[%get3A] {strides = array<i32>} : memref<640xf32, #tpu.memory_space<vmem>>, vector<16xf32>,
      %mul3A_137 = arith.constant 16 : i32
      %mul3A_138 = arith.muli %scan3A_133, %mul3A_137 : i32
      %get3A_139 = arith.constant 1 : i32
      %get3A_140 = arith.index_cast %get3A_139 : i32 to index
      %get3A_141 = arith.index_cast %mul3A_138 : i32 to index
      %get3A_142 = tpu.vector_load %arg8[%get3A_140, %get3A_141] {strides = array<i32>} : memref<16x640xf32, #tpu.memory_space<vmem>>, vector<16xf32>,
      %add3A_143 = arith.addf %get3A_136, %get3A_142 : vector<16xf32>
      %mul3A_144 = arith.constant 16 : i32
      %mul3A_145 = arith.muli %scan3A_133, %mul3A_144 : i32
      %swap3A = arith.index_cast %mul3A_145 : i32 to index
      %swap3A_146 = tpu.vector_load %arg9[%swap3A] {strides = array<i32>} : memref<640xf32, #tpu.memory_space<vmem>>, vector<16xf32>,
      tpu.vector_store %arg9[%swap3A], %add3A_143 {strides = array<i32>} : memref<640xf32, #tpu.memory_space<vmem>>, vector<16xf32>,
    }
    %scan3A_46 = arith.constant 40 : i32
    %scan3A_47 = arith.constant 0 : i32
    %scan3A_48 = arith.constant 0 : i32
    %scan3A_49 = arith.constant 40 : i32
    %scan3A_50 = arith.addi %scan3A_48, %scan3A_49 : i32
    %scan3A_51 = arith.constant 1 : i32
    scf.for %scan3A_133 = %scan3A_48 to %scan3A_50 step %scan3A_51  : i32 {
      %mul3A_134 = arith.constant 16 : i32
      %mul3A_135 = arith.muli %scan3A_133, %mul3A_134 : i32
      %get3A = arith.index_cast %mul3A_135 : i32 to index
      %get3A_136 = tpu.vector_load %arg9[%get3A] {strides = array<i32>} : memref<640xf32, #tpu.memory_space<vmem>>, vector<16xf32>,
      %mul3A_137 = arith.constant 16 : i32
      %mul3A_138 = arith.muli %scan3A_133, %mul3A_137 : i32
      %get3A_139 = arith.constant 2 : i32
      %get3A_140 = arith.index_cast %get3A_139 : i32 to index
      %get3A_141 = arith.index_cast %mul3A_138 : i32 to index
      %get3A_142 = tpu.vector_load %arg8[%get3A_140, %get3A_141] {strides = array<i32>} : memref<16x640xf32, #tpu.memory_space<vmem>>, vector<16xf32>,
      %add3A_143 = arith.addf %get3A_136, %get3A_142 : vector<16xf32>
      %mul3A_144 = arith.constant 16 : i32
      %mul3A_145 = arith.muli %scan3A_133, %mul3A_144 : i32
      %swap3A = arith.index_cast %mul3A_145 : i32 to index
      %swap3A_146 = tpu.vector_load %arg9[%swap3A] {strides = array<i32>} : memref<640xf32, #tpu.memory_space<vmem>>, vector<16xf32>,
      tpu.vector_store %arg9[%swap3A], %add3A_143 {strides = array<i32>} : memref<640xf32, #tpu.memory_space<vmem>>, vector<16xf32>,
    }
    %scan3A_52 = arith.constant 40 : i32
    %scan3A_53 = arith.constant 0 : i32
    %scan3A_54 = arith.constant 0 : i32
    %scan3A_55 = arith.constant 40 : i32
    %scan3A_56 = arith.addi %scan3A_54, %scan3A_55 : i32
    %scan3A_57 = arith.constant 1 : i32
    scf.for %scan3A_133 = %scan3A_54 to %scan3A_56 step %scan3A_57  : i32 {
      %mul3A_134 = arith.constant 16 : i32
      %mul3A_135 = arith.muli %scan3A_133, %mul3A_134 : i32
      %get3A = arith.index_cast %mul3A_135 : i32 to index
      %get3A_136 = tpu.vector_load %arg9[%get3A] {strides = array<i32>} : memref<640xf32, #tpu.memory_space<vmem>>, vector<16xf32>,
      %mul3A_137 = arith.constant 16 : i32
      %mul3A_138 = arith.muli %scan3A_133, %mul3A_137 : i32
      %get3A_139 = arith.constant 3 : i32
      %get3A_140 = arith.index_cast %get3A_139 : i32 to index
      %get3A_141 = arith.index_cast %mul3A_138 : i32 to index
      %get3A_142 = tpu.vector_load %arg8[%get3A_140, %get3A_141] {strides = array<i32>} : memref<16x640xf32, #tpu.memory_space<vmem>>, vector<16xf32>,
      %add3A_143 = arith.addf %get3A_136, %get3A_142 : vector<16xf32>
      %mul3A_144 = arith.constant 16 : i32
      %mul3A_145 = arith.muli %scan3A_133, %mul3A_144 : i32
      %swap3A = arith.index_cast %mul3A_145 : i32 to index
      %swap3A_146 = tpu.vector_load %arg9[%swap3A] {strides = array<i32>} : memref<640xf32, #tpu.memory_space<vmem>>, vector<16xf32>,
      tpu.vector_store %arg9[%swap3A], %add3A_143 {strides = array<i32>} : memref<640xf32, #tpu.memory_space<vmem>>, vector<16xf32>,
    }
    %scan3A_58 = arith.constant 40 : i32
    %scan3A_59 = arith.constant 0 : i32
    %scan3A_60 = arith.constant 0 : i32
    %scan3A_61 = arith.constant 40 : i32
    %scan3A_62 = arith.addi %scan3A_60, %scan3A_61 : i32
    %scan3A_63 = arith.constant 1 : i32
    scf.for %scan3A_133 = %scan3A_60 to %scan3A_62 step %scan3A_63  : i32 {
      %mul3A_134 = arith.constant 16 : i32
      %mul3A_135 = arith.muli %scan3A_133, %mul3A_134 : i32
      %get3A = arith.index_cast %mul3A_135 : i32 to index
      %get3A_136 = tpu.vector_load %arg9[%get3A] {strides = array<i32>} : memref<640xf32, #tpu.memory_space<vmem>>, vector<16xf32>,
      %mul3A_137 = arith.constant 16 : i32
      %mul3A_138 = arith.muli %scan3A_133, %mul3A_137 : i32
      %get3A_139 = arith.constant 4 : i32
      %get3A_140 = arith.index_cast %get3A_139 : i32 to index
      %get3A_141 = arith.index_cast %mul3A_138 : i32 to index
      %get3A_142 = tpu.vector_load %arg8[%get3A_140, %get3A_141] {strides = array<i32>} : memref<16x640xf32, #tpu.memory_space<vmem>>, vector<16xf32>,
      %add3A_143 = arith.addf %get3A_136, %get3A_142 : vector<16xf32>
      %mul3A_144 = arith.constant 16 : i32
      %mul3A_145 = arith.muli %scan3A_133, %mul3A_144 : i32
      %swap3A = arith.index_cast %mul3A_145 : i32 to index
      %swap3A_146 = tpu.vector_load %arg9[%swap3A] {strides = array<i32>} : memref<640xf32, #tpu.memory_space<vmem>>, vector<16xf32>,
      tpu.vector_store %arg9[%swap3A], %add3A_143 {strides = array<i32>} : memref<640xf32, #tpu.memory_space<vmem>>, vector<16xf32>,
    }
    %scan3A_64 = arith.constant 40 : i32
    %scan3A_65 = arith.constant 0 : i32
    %scan3A_66 = arith.constant 0 : i32
    %scan3A_67 = arith.constant 40 : i32
    %scan3A_68 = arith.addi %scan3A_66, %scan3A_67 : i32
    %scan3A_69 = arith.constant 1 : i32
    scf.for %scan3A_133 = %scan3A_66 to %scan3A_68 step %scan3A_69  : i32 {
      %mul3A_134 = arith.constant 16 : i32
      %mul3A_135 = arith.muli %scan3A_133, %mul3A_134 : i32
      %get3A = arith.index_cast %mul3A_135 : i32 to index
      %get3A_136 = tpu.vector_load %arg9[%get3A] {strides = array<i32>} : memref<640xf32, #tpu.memory_space<vmem>>, vector<16xf32>,
      %mul3A_137 = arith.constant 16 : i32
      %mul3A_138 = arith.muli %scan3A_133, %mul3A_137 : i32
      %get3A_139 = arith.constant 5 : i32
      %get3A_140 = arith.index_cast %get3A_139 : i32 to index
      %get3A_141 = arith.index_cast %mul3A_138 : i32 to index
      %get3A_142 = tpu.vector_load %arg8[%get3A_140, %get3A_141] {strides = array<i32>} : memref<16x640xf32, #tpu.memory_space<vmem>>, vector<16xf32>,
      %add3A_143 = arith.addf %get3A_136, %get3A_142 : vector<16xf32>
      %mul3A_144 = arith.constant 16 : i32
      %mul3A_145 = arith.muli %scan3A_133, %mul3A_144 : i32
      %swap3A = arith.index_cast %mul3A_145 : i32 to index
      %swap3A_146 = tpu.vector_load %arg9[%swap3A] {strides = array<i32>} : memref<640xf32, #tpu.memory_space<vmem>>, vector<16xf32>,
      tpu.vector_store %arg9[%swap3A], %add3A_143 {strides = array<i32>} : memref<640xf32, #tpu.memory_space<vmem>>, vector<16xf32>,
    }
    %scan3A_70 = arith.constant 40 : i32
    %scan3A_71 = arith.constant 0 : i32
    %scan3A_72 = arith.constant 0 : i32
    %scan3A_73 = arith.constant 40 : i32
    %scan3A_74 = arith.addi %scan3A_72, %scan3A_73 : i32
    %scan3A_75 = arith.constant 1 : i32
    scf.for %scan3A_133 = %scan3A_72 to %scan3A_74 step %scan3A_75  : i32 {
      %mul3A_134 = arith.constant 16 : i32
      %mul3A_135 = arith.muli %scan3A_133, %mul3A_134 : i32
      %get3A = arith.index_cast %mul3A_135 : i32 to index
      %get3A_136 = tpu.vector_load %arg9[%get3A] {strides = array<i32>} : memref<640xf32, #tpu.memory_space<vmem>>, vector<16xf32>,
      %mul3A_137 = arith.constant 16 : i32
      %mul3A_138 = arith.muli %scan3A_133, %mul3A_137 : i32
      %get3A_139 = arith.constant 6 : i32
      %get3A_140 = arith.index_cast %get3A_139 : i32 to index
      %get3A_141 = arith.index_cast %mul3A_138 : i32 to index
      %get3A_142 = tpu.vector_load %arg8[%get3A_140, %get3A_141] {strides = array<i32>} : memref<16x640xf32, #tpu.memory_space<vmem>>, vector<16xf32>,
      %add3A_143 = arith.addf %get3A_136, %get3A_142 : vector<16xf32>
      %mul3A_144 = arith.constant 16 : i32
      %mul3A_145 = arith.muli %scan3A_133, %mul3A_144 : i32
      %swap3A = arith.index_cast %mul3A_145 : i32 to index
      %swap3A_146 = tpu.vector_load %arg9[%swap3A] {strides = array<i32>} : memref<640xf32, #tpu.memory_space<vmem>>, vector<16xf32>,
      tpu.vector_store %arg9[%swap3A], %add3A_143 {strides = array<i32>} : memref<640xf32, #tpu.memory_space<vmem>>, vector<16xf32>,
    }
    %scan3A_76 = arith.constant 40 : i32
    %scan3A_77 = arith.constant 0 : i32
    %scan3A_78 = arith.constant 0 : i32
    %scan3A_79 = arith.constant 40 : i32
    %scan3A_80 = arith.addi %scan3A_78, %scan3A_79 : i32
    %scan3A_81 = arith.constant 1 : i32
    scf.for %scan3A_133 = %scan3A_78 to %scan3A_80 step %scan3A_81  : i32 {
      %mul3A_134 = arith.constant 16 : i32
      %mul3A_135 = arith.muli %scan3A_133, %mul3A_134 : i32
      %get3A = arith.index_cast %mul3A_135 : i32 to index
      %get3A_136 = tpu.vector_load %arg9[%get3A] {strides = array<i32>} : memref<640xf32, #tpu.memory_space<vmem>>, vector<16xf32>,
      %mul3A_137 = arith.constant 16 : i32
      %mul3A_138 = arith.muli %scan3A_133, %mul3A_137 : i32
      %get3A_139 = arith.constant 7 : i32
      %get3A_140 = arith.index_cast %get3A_139 : i32 to index
      %get3A_141 = arith.index_cast %mul3A_138 : i32 to index
      %get3A_142 = tpu.vector_load %arg8[%get3A_140, %get3A_141] {strides = array<i32>} : memref<16x640xf32, #tpu.memory_space<vmem>>, vector<16xf32>,
      %add3A_143 = arith.addf %get3A_136, %get3A_142 : vector<16xf32>
      %mul3A_144 = arith.constant 16 : i32
      %mul3A_145 = arith.muli %scan3A_133, %mul3A_144 : i32
      %swap3A = arith.index_cast %mul3A_145 : i32 to index
      %swap3A_146 = tpu.vector_load %arg9[%swap3A] {strides = array<i32>} : memref<640xf32, #tpu.memory_space<vmem>>, vector<16xf32>,
      tpu.vector_store %arg9[%swap3A], %add3A_143 {strides = array<i32>} : memref<640xf32, #tpu.memory_space<vmem>>, vector<16xf32>,
    }
    %scan3A_82 = arith.constant 40 : i32
    %scan3A_83 = arith.constant 0 : i32
    %scan3A_84 = arith.constant 0 : i32
    %scan3A_85 = arith.constant 40 : i32
    %scan3A_86 = arith.addi %scan3A_84, %scan3A_85 : i32
    %scan3A_87 = arith.constant 1 : i32
    scf.for %scan3A_133 = %scan3A_84 to %scan3A_86 step %scan3A_87  : i32 {
      %mul3A_134 = arith.constant 16 : i32
      %mul3A_135 = arith.muli %scan3A_133, %mul3A_134 : i32
      %get3A = arith.index_cast %mul3A_135 : i32 to index
      %get3A_136 = tpu.vector_load %arg9[%get3A] {strides = array<i32>} : memref<640xf32, #tpu.memory_space<vmem>>, vector<16xf32>,
      %mul3A_137 = arith.constant 16 : i32
      %mul3A_138 = arith.muli %scan3A_133, %mul3A_137 : i32
      %get3A_139 = arith.constant 8 : i32
      %get3A_140 = arith.index_cast %get3A_139 : i32 to index
      %get3A_141 = arith.index_cast %mul3A_138 : i32 to index
      %get3A_142 = tpu.vector_load %arg8[%get3A_140, %get3A_141] {strides = array<i32>} : memref<16x640xf32, #tpu.memory_space<vmem>>, vector<16xf32>,
      %add3A_143 = arith.addf %get3A_136, %get3A_142 : vector<16xf32>
      %mul3A_144 = arith.constant 16 : i32
      %mul3A_145 = arith.muli %scan3A_133, %mul3A_144 : i32
      %swap3A = arith.index_cast %mul3A_145 : i32 to index
      %swap3A_146 = tpu.vector_load %arg9[%swap3A] {strides = array<i32>} : memref<640xf32, #tpu.memory_space<vmem>>, vector<16xf32>,
      tpu.vector_store %arg9[%swap3A], %add3A_143 {strides = array<i32>} : memref<640xf32, #tpu.memory_space<vmem>>, vector<16xf32>,
    }
    %scan3A_88 = arith.constant 40 : i32
    %scan3A_89 = arith.constant 0 : i32
    %scan3A_90 = arith.constant 0 : i32
    %scan3A_91 = arith.constant 40 : i32
    %scan3A_92 = arith.addi %scan3A_90, %scan3A_91 : i32
    %scan3A_93 = arith.constant 1 : i32
    scf.for %scan3A_133 = %scan3A_90 to %scan3A_92 step %scan3A_93  : i32 {
      %mul3A_134 = arith.constant 16 : i32
      %mul3A_135 = arith.muli %scan3A_133, %mul3A_134 : i32
      %get3A = arith.index_cast %mul3A_135 : i32 to index
      %get3A_136 = tpu.vector_load %arg9[%get3A] {strides = array<i32>} : memref<640xf32, #tpu.memory_space<vmem>>, vector<16xf32>,
      %mul3A_137 = arith.constant 16 : i32
      %mul3A_138 = arith.muli %scan3A_133, %mul3A_137 : i32
      %get3A_139 = arith.constant 9 : i32
      %get3A_140 = arith.index_cast %get3A_139 : i32 to index
      %get3A_141 = arith.index_cast %mul3A_138 : i32 to index
      %get3A_142 = tpu.vector_load %arg8[%get3A_140, %get3A_141] {strides = array<i32>} : memref<16x640xf32, #tpu.memory_space<vmem>>, vector<16xf32>,
      %add3A_143 = arith.addf %get3A_136, %get3A_142 : vector<16xf32>
      %mul3A_144 = arith.constant 16 : i32
      %mul3A_145 = arith.muli %scan3A_133, %mul3A_144 : i32
      %swap3A = arith.index_cast %mul3A_145 : i32 to index
      %swap3A_146 = tpu.vector_load %arg9[%swap3A] {strides = array<i32>} : memref<640xf32, #tpu.memory_space<vmem>>, vector<16xf32>,
      tpu.vector_store %arg9[%swap3A], %add3A_143 {strides = array<i32>} : memref<640xf32, #tpu.memory_space<vmem>>, vector<16xf32>,
    }
    %scan3A_94 = arith.constant 40 : i32
    %scan3A_95 = arith.constant 0 : i32
    %scan3A_96 = arith.constant 0 : i32
    %scan3A_97 = arith.constant 40 : i32
    %scan3A_98 = arith.addi %scan3A_96, %scan3A_97 : i32
    %scan3A_99 = arith.constant 1 : i32
    scf.for %scan3A_133 = %scan3A_96 to %scan3A_98 step %scan3A_99  : i32 {
      %mul3A_134 = arith.constant 16 : i32
      %mul3A_135 = arith.muli %scan3A_133, %mul3A_134 : i32
      %get3A = arith.index_cast %mul3A_135 : i32 to index
      %get3A_136 = tpu.vector_load %arg9[%get3A] {strides = array<i32>} : memref<640xf32, #tpu.memory_space<vmem>>, vector<16xf32>,
      %mul3A_137 = arith.constant 16 : i32
      %mul3A_138 = arith.muli %scan3A_133, %mul3A_137 : i32
      %get3A_139 = arith.constant 10 : i32
      %get3A_140 = arith.index_cast %get3A_139 : i32 to index
      %get3A_141 = arith.index_cast %mul3A_138 : i32 to index
      %get3A_142 = tpu.vector_load %arg8[%get3A_140, %get3A_141] {strides = array<i32>} : memref<16x640xf32, #tpu.memory_space<vmem>>, vector<16xf32>,
      %add3A_143 = arith.addf %get3A_136, %get3A_142 : vector<16xf32>
      %mul3A_144 = arith.constant 16 : i32
      %mul3A_145 = arith.muli %scan3A_133, %mul3A_144 : i32
      %swap3A = arith.index_cast %mul3A_145 : i32 to index
      %swap3A_146 = tpu.vector_load %arg9[%swap3A] {strides = array<i32>} : memref<640xf32, #tpu.memory_space<vmem>>, vector<16xf32>,
      tpu.vector_store %arg9[%swap3A], %add3A_143 {strides = array<i32>} : memref<640xf32, #tpu.memory_space<vmem>>, vector<16xf32>,
    }
    %scan3A_100 = arith.constant 40 : i32
    %scan3A_101 = arith.constant 0 : i32
    %scan3A_102 = arith.constant 0 : i32
    %scan3A_103 = arith.constant 40 : i32
    %scan3A_104 = arith.addi %scan3A_102, %scan3A_103 : i32
    %scan3A_105 = arith.constant 1 : i32
    scf.for %scan3A_133 = %scan3A_102 to %scan3A_104 step %scan3A_105  : i32 {
      %mul3A_134 = arith.constant 16 : i32
      %mul3A_135 = arith.muli %scan3A_133, %mul3A_134 : i32
      %get3A = arith.index_cast %mul3A_135 : i32 to index
      %get3A_136 = tpu.vector_load %arg9[%get3A] {strides = array<i32>} : memref<640xf32, #tpu.memory_space<vmem>>, vector<16xf32>,
      %mul3A_137 = arith.constant 16 : i32
      %mul3A_138 = arith.muli %scan3A_133, %mul3A_137 : i32
      %get3A_139 = arith.constant 11 : i32
      %get3A_140 = arith.index_cast %get3A_139 : i32 to index
      %get3A_141 = arith.index_cast %mul3A_138 : i32 to index
      %get3A_142 = tpu.vector_load %arg8[%get3A_140, %get3A_141] {strides = array<i32>} : memref<16x640xf32, #tpu.memory_space<vmem>>, vector<16xf32>,
      %add3A_143 = arith.addf %get3A_136, %get3A_142 : vector<16xf32>
      %mul3A_144 = arith.constant 16 : i32
      %mul3A_145 = arith.muli %scan3A_133, %mul3A_144 : i32
      %swap3A = arith.index_cast %mul3A_145 : i32 to index
      %swap3A_146 = tpu.vector_load %arg9[%swap3A] {strides = array<i32>} : memref<640xf32, #tpu.memory_space<vmem>>, vector<16xf32>,
      tpu.vector_store %arg9[%swap3A], %add3A_143 {strides = array<i32>} : memref<640xf32, #tpu.memory_space<vmem>>, vector<16xf32>,
    }
    %scan3A_106 = arith.constant 40 : i32
    %scan3A_107 = arith.constant 0 : i32
    %scan3A_108 = arith.constant 0 : i32
    %scan3A_109 = arith.constant 40 : i32
    %scan3A_110 = arith.addi %scan3A_108, %scan3A_109 : i32
    %scan3A_111 = arith.constant 1 : i32
    scf.for %scan3A_133 = %scan3A_108 to %scan3A_110 step %scan3A_111  : i32 {
      %mul3A_134 = arith.constant 16 : i32
      %mul3A_135 = arith.muli %scan3A_133, %mul3A_134 : i32
      %get3A = arith.index_cast %mul3A_135 : i32 to index
      %get3A_136 = tpu.vector_load %arg9[%get3A] {strides = array<i32>} : memref<640xf32, #tpu.memory_space<vmem>>, vector<16xf32>,
      %mul3A_137 = arith.constant 16 : i32
      %mul3A_138 = arith.muli %scan3A_133, %mul3A_137 : i32
      %get3A_139 = arith.constant 12 : i32
      %get3A_140 = arith.index_cast %get3A_139 : i32 to index
      %get3A_141 = arith.index_cast %mul3A_138 : i32 to index
      %get3A_142 = tpu.vector_load %arg8[%get3A_140, %get3A_141] {strides = array<i32>} : memref<16x640xf32, #tpu.memory_space<vmem>>, vector<16xf32>,
      %add3A_143 = arith.addf %get3A_136, %get3A_142 : vector<16xf32>
      %mul3A_144 = arith.constant 16 : i32
      %mul3A_145 = arith.muli %scan3A_133, %mul3A_144 : i32
      %swap3A = arith.index_cast %mul3A_145 : i32 to index
      %swap3A_146 = tpu.vector_load %arg9[%swap3A] {strides = array<i32>} : memref<640xf32, #tpu.memory_space<vmem>>, vector<16xf32>,
      tpu.vector_store %arg9[%swap3A], %add3A_143 {strides = array<i32>} : memref<640xf32, #tpu.memory_space<vmem>>, vector<16xf32>,
    }
    %scan3A_112 = arith.constant 40 : i32
    %scan3A_113 = arith.constant 0 : i32
    %scan3A_114 = arith.constant 0 : i32
    %scan3A_115 = arith.constant 40 : i32
    %scan3A_116 = arith.addi %scan3A_114, %scan3A_115 : i32
    %scan3A_117 = arith.constant 1 : i32
    scf.for %scan3A_133 = %scan3A_114 to %scan3A_116 step %scan3A_117  : i32 {
      %mul3A_134 = arith.constant 16 : i32
      %mul3A_135 = arith.muli %scan3A_133, %mul3A_134 : i32
      %get3A = arith.index_cast %mul3A_135 : i32 to index
      %get3A_136 = tpu.vector_load %arg9[%get3A] {strides = array<i32>} : memref<640xf32, #tpu.memory_space<vmem>>, vector<16xf32>,
      %mul3A_137 = arith.constant 16 : i32
      %mul3A_138 = arith.muli %scan3A_133, %mul3A_137 : i32
      %get3A_139 = arith.constant 13 : i32
      %get3A_140 = arith.index_cast %get3A_139 : i32 to index
      %get3A_141 = arith.index_cast %mul3A_138 : i32 to index
      %get3A_142 = tpu.vector_load %arg8[%get3A_140, %get3A_141] {strides = array<i32>} : memref<16x640xf32, #tpu.memory_space<vmem>>, vector<16xf32>,
      %add3A_143 = arith.addf %get3A_136, %get3A_142 : vector<16xf32>
      %mul3A_144 = arith.constant 16 : i32
      %mul3A_145 = arith.muli %scan3A_133, %mul3A_144 : i32
      %swap3A = arith.index_cast %mul3A_145 : i32 to index
      %swap3A_146 = tpu.vector_load %arg9[%swap3A] {strides = array<i32>} : memref<640xf32, #tpu.memory_space<vmem>>, vector<16xf32>,
      tpu.vector_store %arg9[%swap3A], %add3A_143 {strides = array<i32>} : memref<640xf32, #tpu.memory_space<vmem>>, vector<16xf32>,
    }
    %scan3A_118 = arith.constant 40 : i32
    %scan3A_119 = arith.constant 0 : i32
    %scan3A_120 = arith.constant 0 : i32
    %scan3A_121 = arith.constant 40 : i32
    %scan3A_122 = arith.addi %scan3A_120, %scan3A_121 : i32
    %scan3A_123 = arith.constant 1 : i32
    scf.for %scan3A_133 = %scan3A_120 to %scan3A_122 step %scan3A_123  : i32 {
      %mul3A_134 = arith.constant 16 : i32
      %mul3A_135 = arith.muli %scan3A_133, %mul3A_134 : i32
      %get3A = arith.index_cast %mul3A_135 : i32 to index
      %get3A_136 = tpu.vector_load %arg9[%get3A] {strides = array<i32>} : memref<640xf32, #tpu.memory_space<vmem>>, vector<16xf32>,
      %mul3A_137 = arith.constant 16 : i32
      %mul3A_138 = arith.muli %scan3A_133, %mul3A_137 : i32
      %get3A_139 = arith.constant 14 : i32
      %get3A_140 = arith.index_cast %get3A_139 : i32 to index
      %get3A_141 = arith.index_cast %mul3A_138 : i32 to index
      %get3A_142 = tpu.vector_load %arg8[%get3A_140, %get3A_141] {strides = array<i32>} : memref<16x640xf32, #tpu.memory_space<vmem>>, vector<16xf32>,
      %add3A_143 = arith.addf %get3A_136, %get3A_142 : vector<16xf32>
      %mul3A_144 = arith.constant 16 : i32
      %mul3A_145 = arith.muli %scan3A_133, %mul3A_144 : i32
      %swap3A = arith.index_cast %mul3A_145 : i32 to index
      %swap3A_146 = tpu.vector_load %arg9[%swap3A] {strides = array<i32>} : memref<640xf32, #tpu.memory_space<vmem>>, vector<16xf32>,
      tpu.vector_store %arg9[%swap3A], %add3A_143 {strides = array<i32>} : memref<640xf32, #tpu.memory_space<vmem>>, vector<16xf32>,
    }
    %scan3A_124 = arith.constant 40 : i32
    %scan3A_125 = arith.constant 0 : i32
    %scan3A_126 = arith.constant 0 : i32
    %scan3A_127 = arith.constant 40 : i32
    %scan3A_128 = arith.addi %scan3A_126, %scan3A_127 : i32
    %scan3A_129 = arith.constant 1 : i32
    scf.for %scan3A_133 = %scan3A_126 to %scan3A_128 step %scan3A_129  : i32 {
      %mul3A_134 = arith.constant 16 : i32
      %mul3A_135 = arith.muli %scan3A_133, %mul3A_134 : i32
      %get3A = arith.index_cast %mul3A_135 : i32 to index
      %get3A_136 = tpu.vector_load %arg9[%get3A] {strides = array<i32>} : memref<640xf32, #tpu.memory_space<vmem>>, vector<16xf32>,
      %mul3A_137 = arith.constant 16 : i32
      %mul3A_138 = arith.muli %scan3A_133, %mul3A_137 : i32
      %get3A_139 = arith.constant 15 : i32
      %get3A_140 = arith.index_cast %get3A_139 : i32 to index
      %get3A_141 = arith.index_cast %mul3A_138 : i32 to index
      %get3A_142 = tpu.vector_load %arg8[%get3A_140, %get3A_141] {strides = array<i32>} : memref<16x640xf32, #tpu.memory_space<vmem>>, vector<16xf32>,
      %add3A_143 = arith.addf %get3A_136, %get3A_142 : vector<16xf32>
      %mul3A_144 = arith.constant 16 : i32
      %mul3A_145 = arith.muli %scan3A_133, %mul3A_144 : i32
      %swap3A = arith.index_cast %mul3A_145 : i32 to index
      %swap3A_146 = tpu.vector_load %arg9[%swap3A] {strides = array<i32>} : memref<640xf32, #tpu.memory_space<vmem>>, vector<16xf32>,
      tpu.vector_store %arg9[%swap3A], %add3A_143 {strides = array<i32>} : memref<640xf32, #tpu.memory_space<vmem>>, vector<16xf32>,
    }
    %scan3A_130 = arith.constant 40 : i32
    %mul3A_131 = arith.constant 640 : i32
    %mul3A_132 = arith.muli %arg1, %mul3A_131 : i32
    "tpu.region"() ({
      %run_scoped3A = tpu.sem_alloc : memref<!tpu.dma_semaphore, #tpu.memory_space<semaphore_mem>>
      %dma_start3A = tpu.memref_slice %arg4[%arg0, %mul3A_132] : memref<2x10240xf32, #tpu.memory_space<hbm>> -> memref<1x640xf32, #tpu.memory_space<hbm>>
      %dma_start3A_133 = tpu.memref_squeeze %dma_start3A : memref<1x640xf32, #tpu.memory_space<hbm>> -> memref<640xf32, #tpu.memory_space<hbm>>
      %dma_start3A_134 = tpu.memref_slice %arg4[%arg0, %mul3A_132] : memref<2x10240xf32, #tpu.memory_space<hbm>> -> memref<1x640xf32, #tpu.memory_space<hbm>>
      %dma_start3A_135 = tpu.memref_squeeze %dma_start3A_134 : memref<1x640xf32, #tpu.memory_space<hbm>> -> memref<640xf32, #tpu.memory_space<hbm>>
      tpu.enqueue_dma source(%arg9 : memref<640xf32, #tpu.memory_space<vmem>>) target(%dma_start3A_135 : memref<640xf32, #tpu.memory_space<hbm>>) target_semaphore(%run_scoped3A : memref<!tpu.dma_semaphore, #tpu.memory_space<semaphore_mem>>)
      %dma_wait3A = tpu.memref_slice %arg4[%arg0, %mul3A_132] : memref<2x10240xf32, #tpu.memory_space<hbm>> -> memref<1x640xf32, #tpu.memory_space<hbm>>
      %dma_wait3A_136 = tpu.memref_squeeze %dma_wait3A : memref<1x640xf32, #tpu.memory_space<hbm>> -> memref<640xf32, #tpu.memory_space<hbm>>
      %dma_wait3A_137 = tpu.memref_slice %arg4[%arg0, %mul3A_132] : memref<2x10240xf32, #tpu.memory_space<hbm>> -> memref<1x640xf32, #tpu.memory_space<hbm>>
      %dma_wait3A_138 = tpu.memref_squeeze %dma_wait3A_137 : memref<1x640xf32, #tpu.memory_space<hbm>> -> memref<640xf32, #tpu.memory_space<hbm>>
      tpu.wait_dma2 semaphore(%run_scoped3A : memref<!tpu.dma_semaphore, #tpu.memory_space<semaphore_mem>>) src(%arg9 : memref<640xf32, #tpu.memory_space<vmem>>) dst(%dma_wait3A_138 : memref<640xf32, #tpu.memory_space<hbm>>)
      tpu.yield
    }) : () -> ()
    return
  }
}

module attributes {stable_mosaic.version = 14 : i64} {
  func.func @_tc_body(%arg0: memref<10000x128xf32, #tpu.memory_space<vmem>>, %arg1: memref<2x10240xf32, #tpu.memory_space<vmem>>, %arg2: memref<10000x256xf32, #tpu.memory_space<vmem>>) attributes {dimension_semantics = [], scalar_prefetch = 0 : i64, scratch_operands = 0 : i64, tpu.core_type = #tpu.core_type<tc>} {
    %get3A = arith.constant 0 : index
    %get3A_0 = arith.constant 0 : index
    %get3A_1 = vector.load %arg1[%get3A, %get3A_0] : memref<2x10240xf32, #tpu.memory_space<vmem>>, vector<2x10240xf32>
    %transpose3A = tpu.transpose %get3A_1, [1, 0] : vector<2x10240xf32> -> vector<10240x2xf32>
    %slice3A = vector.extract_strided_slice %transpose3A {offsets = [0, 0], sizes = [10000, 1], strides = [1, 1]} : vector<10240x2xf32> to vector<10000x1xf32>
    %slice3A_2 = vector.extract_strided_slice %transpose3A {offsets = [0, 1], sizes = [10000, 1], strides = [1, 1]} : vector<10240x2xf32> to vector<10000x1xf32>
    %add3A = arith.addf %slice3A, %slice3A_2 : vector<10000x1xf32>
    %get3A_3 = arith.constant 0 : index
    %get3A_4 = arith.constant 0 : index
    %get3A_5 = vector.load %arg0[%get3A_3, %get3A_4] : memref<10000x128xf32, #tpu.memory_space<vmem>>, vector<10000x128xf32>
    %swap3A = arith.constant 0 : index
    %swap3A_6 = arith.constant 0 : index
    %swap3A_7 = vector.load %arg2[%swap3A, %swap3A_6] : memref<10000x256xf32, #tpu.memory_space<vmem>>, vector<10000x128xf32>
    tpu.vector_store %arg2[%swap3A, %swap3A_6], %get3A_5 {strides = array<i32>} : memref<10000x256xf32, #tpu.memory_space<vmem>>, vector<10000x128xf32>,
    %mul3A = vector.broadcast %add3A : vector<10000x1xf32> to vector<10000x128xf32>
    %mul3A_8 = arith.mulf %get3A_5, %mul3A : vector<10000x128xf32>
    %swap3A_9 = arith.constant 0 : index
    %swap3A_10 = arith.constant 128 : index
    %swap3A_11 = vector.load %arg2[%swap3A_9, %swap3A_10] : memref<10000x256xf32, #tpu.memory_space<vmem>>, vector<10000x128xf32>
    tpu.vector_store %arg2[%swap3A_9, %swap3A_10], %mul3A_8 {strides = array<i32>} : memref<10000x256xf32, #tpu.memory_space<vmem>>, vector<10000x128xf32>,
    return
  }
}

</mosaic_0001>

<sc_bundles>
// kernel: kernel.4.cloned.1.call-start
scs
__scs_entry_jumppad:
0x0: {  	(pc) =	sbr.rel $0x88, $3  }
0x1: {  	(tag) =	ssettag $0x0;
	lr =	simm.s32 $0x1  }
0x2: {  	[smem:$0x3F9E] =	sst lr;
	_ =	strace $0xD0000000  }
0x3: {  	_ = 	snop  }
0x4: {  	_ = 	snop  }
0x5: {  	_ = 	snop  }
0x6: {  	_ = 	snop  }
0x7: {  	_ = 	snop  }
__scs_overlays_trampoline_lowered:
0x8: {  	[smem:$0x3FAD] =	sst s0  }
0x9: {  	[smem:$0x3FAE] =	sst s1  }
0xa: {  	[smem:$0x3FAF] =	sst s2  }
0xb: {  	[smem:$0x3FB0] =	sst s3  }
0xc: {  	[smem:$0x3FB1] =	sst s4  }
0xd: {  	[smem:$0x3FB2] =	sst s5  }
0xe: {  	[smem:$0x3FB3] =	sst s6  }
0xf: {  	[smem:$0x3FB4] =	sst s7  }
0x10: {  	[smem:$0x3FB5] =	sst s8  }
0x11: {  	[smem:$0x3FB6] =	sst s9;
	s0 =	simm.s32 @!p0 $0x0  }
0x12: {  	s1 =	sld [smem:$0x3F9C];
	s0 =	simm.s32 @p0 $0x1  }
0x13: {  	[smem:$0x3FB7] =	sst s0;
	s0 =	simm.s32 @!p1 $0x0  }
0x14: {  	s2 =	sld [smem:$0x3F9B];
	s0 =	simm.s32 @p1 $0x1  }
0x15: {  	[smem:$0x3FB8] =	sst s0;
	s0 =	simm.s32 @!p2 $0x0  }
0x16: {  	s3 =	sld [smem:$0x3FDB];
	s0 =	simm.s32 @p2 $0x1  }
0x17: {  	s4 =	simm.s32 $0x1BF5;
	[smem:$0x3FBA] =	sst s0  }
0x18: {  	s0 =	sld [smem:$0x3F9D];
	_ =	swait.ge [sflag:s4], $0x0  }
0x19: {  	s7 =	sld [smem:$0x3F9E]  }
0x1a: {  	s8 =	sadd.s32 $0xFFFFE003, lr  }
0x1b: {  	s9 =	sadd.s32 $0xFFFFFEF7, lr;
	s5 =	simm.s32 $0xFFFFFFFF;
	p2 =	slt.u32 s8, $0xFFFFF086  }
0x1c: {  	p1 =	slt.u32 s9, $0xF7A;
	s5 =	simm.s32 @!p2 $0x0  }
0x1d: {  	s5 =	simm.s32 @p1 $0x1;
	p0 =	seq.s32 s7, s2  }
0x1e: {  	s7 =	smul.u32 @!p0 $0xF7A, s2;
	p2 =	seq.s32 @!p0 s5, $0x0  }
0x1f: {  	s9 =	smul.u32 $0xF7A, s1;
	s8 =	simm.s32 @!p0 $0x1BF5;
	p2 =	por !p2, p0  }
0x20: {  	[sflag:s8] =	ssyncset.s32 @!p0 $0xFFFFF086;
	s6 =	sadd.s32 @!p0 s3, s7;
	s7 =	simm.s32 @!p0 $0x108  }
0x21: {  	s3 =	sadd.s32 s3, s9;
	s6 =	sadd.s32 @!p0 $0x88, s6;
	s7 =	simm.s32 @p2 $0x1082  }
0x22: {  	[simem:s7], [sflag:s8] =	dma.local @!p0 [hbm:s6], $0xF7A  }
0x23: {  	s9 =	sor.u32 $0xD0000000, s2;
	s6 =	simm.s32 $0x108;
	_ =	swait.ge @!p0 [sflag:s8], $0x0  }
0x24: {  	s3 =	sadd.s32 $0x88, s3;
	s6 =	simm.s32 @!p1 $0x1082;
	[sflag:s4] =	ssyncset.s32 $0xFFFFF086  }
0x25: {  	[simem:s6], [sflag:s4] =	dma.local [hbm:s3], $0xF7A  }
0x26: {  	[smem:$0x3F9E] =	sst s1;
	(tag) =	ssettag s2;
	_ =	strace s9  }
0x27: {  	s1 =	sld [smem:$0x3FAE]  }
0x28: {  	s2 =	sld [smem:$0x3FAF]  }
0x29: {  	s4 =	sld [smem:$0x3FB1]  }
0x2a: {  	p0 =	seq.s32 s5, $0x0;
	s5 =	sld [smem:$0x3FB2]  }
0x2b: {  	s6 =	sld [smem:$0x3FB3]  }
0x2c: {  	s7 =	sld [smem:$0x3FB4]  }
0x2d: {  	s3 =	simm.s32 $0x108;
	s8 =	sld [smem:$0x3FB5]  }
0x2e: {  	s3 =	simm.s32 @!p0 $0x1082;
	s9 =	sld [smem:$0x3FB6]  }
0x2f: {  	lr =	sadd.s32 s0, s3;
	s0 =	sld [smem:$0x3FAD]  }
0x30: {  	s3 =	sld [smem:$0x3FB0]  }
0x31: {  	[smem:$0x3FB9] =	sst s10  }
0x32: {  	s10 =	sld [smem:$0x3FB7];
	_ =	sdelay $0x3  }
0x33: {  	p0 =	seq.s32 s10, $0x1;
	s10 =	sld [smem:$0x3FB9];
	_ =	sdelay $0x3  }
0x34: {  	[smem:$0x3FB9] =	sst s10  }
0x35: {  	s10 =	sld [smem:$0x3FB8];
	_ =	sdelay $0x3  }
0x36: {  	p1 =	seq.s32 s10, $0x1;
	s10 =	sld [smem:$0x3FB9];
	_ =	sdelay $0x3  }
0x37: {  	[smem:$0x3FB9] =	sst s10  }
0x38: {  	s10 =	sld [smem:$0x3FBA]  }
0x39: {  	_ = 	snop;
	(pc) =	sbr.ind lr, $3  }
0x3a: {  	_ = 	snop  }
0x3b: {  	_ = 	snop  }
0x3c: {  	p2 =	seq.s32 s10, $0x1;
	s10 =	sld [smem:$0x3FB9]  }
0x3d: {  	_ =	shalt  }
0x3e: {  	_ =	shalt  }
0x3f: {  	_ =	shalt  }
0x40: {  	_ =	shalt  }
0x41: {  	_ =	shalt  }
0x42: {  	_ =	shalt  }
0x43: {  	_ =	shalt  }
0x44: {  	_ =	shalt  }
0x45: {  	_ =	shalt  }
0x46: {  	_ =	shalt  }
0x47: {  	_ =	shalt  }
0x48: {  	_ =	shalt  }
0x49: {  	_ =	shalt  }
0x4a: {  	_ =	shalt  }
0x4b: {  	_ =	shalt  }
0x4c: {  	_ =	shalt  }
0x4d: {  	_ =	shalt  }
0x4e: {  	_ =	shalt  }
0x4f: {  	_ =	shalt  }
0x50: {  	_ =	shalt  }
0x51: {  	_ =	shalt  }
0x52: {  	_ =	shalt  }
0x53: {  	_ =	shalt  }
0x54: {  	_ =	shalt  }
0x55: {  	_ =	shalt  }
0x56: {  	_ =	shalt  }
0x57: {  	_ =	shalt  }
0x58: {  	_ =	shalt  }
0x59: {  	_ =	shalt  }
0x5a: {  	_ =	shalt  }
0x5b: {  	_ =	shalt  }
0x5c: {  	_ =	shalt  }
0x5d: {  	_ =	shalt  }
0x5e: {  	_ =	shalt  }
0x5f: {  	_ =	shalt  }
0x60: {  	_ =	shalt  }
0x61: {  	_ =	shalt  }
0x62: {  	_ =	shalt  }
0x63: {  	_ =	shalt  }
0x64: {  	_ =	shalt  }
0x65: {  	_ =	shalt  }
0x66: {  	_ =	shalt  }
0x67: {  	_ =	shalt  }
0x68: {  	_ =	shalt  }
0x69: {  	_ =	shalt  }
0x6a: {  	_ =	shalt  }
0x6b: {  	_ =	shalt  }
0x6c: {  	_ =	shalt  }
0x6d: {  	_ =	shalt  }
0x6e: {  	_ =	shalt  }
0x6f: {  	_ =	shalt  }
0x70: {  	_ =	shalt  }
0x71: {  	_ =	shalt  }
0x72: {  	_ =	shalt  }
0x73: {  	_ =	shalt  }
0x74: {  	_ =	shalt  }
0x75: {  	_ =	shalt  }
0x76: {  	_ =	shalt  }
0x77: {  	_ =	shalt  }
0x78: {  	_ =	shalt  }
0x79: {  	_ =	shalt  }
0x7a: {  	_ =	shalt  }
0x7b: {  	_ =	shalt  }
0x7c: {  	_ =	shalt  }
0x7d: {  	_ =	shalt  }
0x7e: {  	_ =	shalt  }
0x7f: {  	_ =	shalt  }
0x80: {  	_ =	shalt  }
0x81: {  	_ =	shalt  }
0x82: {  	_ =	shalt  }
0x83: {  	_ =	shalt  }
0x84: {  	_ =	shalt  }
0x85: {  	_ =	shalt  }
0x86: {  	_ =	shalt  }
0x87: {  	_ =	shalt  }
.Lfunc_end0:
.L_simem_size_0:
called_computation_lowered:
.L_overlay_start_0:
0x88: {  	s2 =	sld [smem:$0x3FD9]  }
0x89: {  	s3 =	sld [smem:$0x3FFE];
	_ =	sdelay $0x1  }
0x8a: {  	s1 =	srdreg.scid  }
0x8b: {  	s0 =	sand.u32 $0x1, s1  }
0x8c: {  	s18 =	sshll.u32 s0, $0xA;
	s2 =	sadd.s32 s3, s2  }
0x8d: {  	s2 =	sadd.s32 s2, s18  }
0x8e: {  	[smem:$0x3FC5] =	sst s2  }
0x8f: {  	_ = 	snop  }
0x90: {  	s2 =	sld [smem:$0x3FC8]  }
0x91: {  	s19 =	sld [smem:$0x3FC7]  }
0x92: {  	s4 =	sld [smem:$0x3FD0];
	(tm) =	ssettm $0x1  }
0x93: {  	s5 =	sld [smem:$0x3FFB];
	_ =	sdelay $0x3  }
0x94: {  	_ =	strace s5  }
0x95: {  	s5 =	sld [smem:$0x3FFC];
	_ =	sdelay $0x3  }
0x96: {  	_ =	strace s5  }
0x97: {  	s5 =	sld [smem:$0x3FFD];
	_ =	sdelay $0x3  }
0x98: {  	_ =	strace s5  }
0x99: {  	_ =	strace $0x8FFFFFFF  }
0x9a: {  	s20 =	sld [smem:$0x3FDB];
	_ =	sdelay $0x1  }
0x9b: {  	s6 =	simm.s32 $_scs_section_size  }
0x9c: {  	s7 =	simm.s32 $_size__tile_overlayer_lowered;
	s8 =	simm.s32 $_tile_overlayer_lowered  }
0x9d: {  	s23 =	simm.s32 $0x1BFF;
	s22 =	sshll.u32 s8, $0x1;
	s5 =	sadd.s32 s6, s20  }
0x9e: {  	s9 =	simm.s32 $0x0;
	s21 =	sshll.u32 s7, $0x1;
	s7 =	sadd.s32 s22, s5  }
0x9f: {  	[timem:s9], [sflag:s23] =	dma.local [hbm:s7], s21  }
0xa0: {  	_ =	swait.ge [sflag:s23], s21  }
0xa1: {  	s6 =	ssub.s32 $0x0, s21;
	[sflag:s23] =	ssyncset.done $0x0  }
0xa2: {  	[sflag:s23] =	ssyncadd.s32 s6;
	_ =	sdelay $0x1  }
0xa3: {  	s24 =	simm.s32 $0x1B8B  }
0xa4: {  	_ =	swait.ge [sflag:s24], $0x1  }
0xa5: {  	[sflag:s24] =	ssyncset.done $0x0  }
0xa6: {  	s25 =	simm.s32 $0x1B8E;
	[sflag:s24] =	ssyncadd.s32 $0xFFFFFFFF  }
0xa7: {  	s26 =	simm.s32 $execute0_lowered;
	[smem:$0x3FD2] =	sst s25  }
0xa8: {  	s6 =	sshll.u32 s26, $0x1;
	_ =	strace $0x80000046;
	[dreg:$0x1] =	wrdreg $0xFFFFFFFF  }
0xa9: {  	s28 =	simm.s32 $_size_execute0_lowered;
	s5 =	sadd.s32 s5, s6;
	[dreg:$0x0] =	wrdreg $0x0  }
0xaa: {  	s6 =	sshll.u32 s28, $0x1;
	[dreg:$0x2] =	wrdreg s5  }
0xab: {  	[dreg:$0x3] =	wrdreg s6  }
0xac: {  	[dreg:$0x4] =	wrdreg $0xC0  }
0xad: {  	_ =	task [dreg:s9], $0x5FFFF  }
0xae: {  	[dreg:$0x1] =	wrdreg $0xFFFFFFFF  }
0xaf: {  	[dreg:$0x0] =	wrdreg $0x60  }
0xb0: {  	[dreg:$0x2] =	wrdreg s2  }
0xb1: {  	[dreg:$0x3] =	wrdreg s19  }
0xb2: {  	[dreg:$0x4] =	wrdreg s4  }
0xb3: {  	[dreg:$0x5] =	wrdreg $0x13F800  }
0xb4: {  	[dreg:$0x6] =	wrdreg $0x9  }
0xb5: {  	_ =	task.clear_ibuf [dreg:s9], $0x7FFFF;
	_ =	strace $0x90000046  }
0xb6: {  	s29 =	simm.s32 $0x9;
	_ =	strace $0x80000048  }
0xb7: {  	_ =	swait.ge [sflag:s29], $0x1  }
0xb8: {  	[sflag:s29] =	ssyncadd.s32 $0xFFFFFFFF  }
0xb9: {  	_ =	strace $0x90000048  }
0xba: {  	_ =	sfence  }
0xbb: {  	s30 =	sld [smem:$0x0];
	_ =	sdelay $0x2  }
0xbc: {  	s31 =	sshll.u32 s1, $0xD;
	s1 =	sshrl.u32 s1, $0x2  }
0xbd: {  	s3 =	sand.u32 $0x4000, s31;
	s1 =	sadd.s32 s1, s30  }
0xbe: {  	s0 =	sor.u32 s3, s0;
	s1 =	sshll.u32 s1, $0x11  }
0xbf: {  	s0 =	sor.u32 s1, s0  }
0xc0: {  	s0 =	sadd.s32 $0x8F2B, s0  }
0xc1: {  	[sflag:s0] =	ssyncadd.remote.s32 $0x1  }
0xc2: {  	_ =	sfence.sel $0xFFFF  }
0xc3: {  	[dreg:$0x0] =	wrdreg $0xFFFFFFFF;
	(pc) =	sbr.abs _section_cstart, $3  }
0xc4: {  	[dreg:$0x1] =	wrdreg $0xFFFFFFFF  }
0xc5: {  	_ =	task.clear_ibuf [dreg:s9], $0x2FFFF;
	_ =	strace $0x9FFFFFFF  }
0xc6: {  	(tm) =	ssettm $0x7FFFFFFF  }
0xc7: {  	_ =	shalt  }
tec
execute0_lowered:
.L_overlay_start_1:
0x0: {  	(tag) =	ssettag $0x1  }
0x1: {  	s3 =	rddreg [dreg:$0x0]  }
0x2: {  	s4 =	rddreg [dreg:$0x1]  }
0x3: {  	s8 =	rddreg [dreg:$0x2];
	s1 =	srdreg.scid  }
0x4: {  	s0 =	stileid.u32;
	s7 =	rddreg [dreg:$0x3];
	s14 =	simm.s32 $0x1400  }
0x5: {  	s15 =	simm.s32 $0x14000;
	s16 =	simm.s32 $0x11500;
	s17 =	simm.s32 $0x100  }
0x6: {  	s18 =	simm.s32 $0x13D00;
	s6 =	sand.u32 $0x1, s1;
	s2 =	sshll.u32 s0, $0x1  }
0x7: {  	s1 =	rddreg [dreg:$0x4];
	p0 =	slt.u32 s0, $0x2;
	s30 =	smul.u32 $0x5000, s0  }
0x8: {  	s28 =	sshrl.u32 s0, $0x3;
	s12 =	sshll.u32 s0, $0x7;
	s13 =	smul.u32 $0x500, s0  }
0x9: {  	s5 =	sor.u32 s6, s2;
	s2 =	simm.s32 $0x0;
	s9 =	ssub.s32 $0x2, s6  }
0xa: {  	s29 =	smul.u32 $0x50000, s28;
	s12 =	sand.u32 $0x380, s12;
	s6 =	sshll.u32 s6, $0x7  }
0xb: {  	s10 =	smul.u32 $0x4E, s5;
	[smem:$0x7FF] =	sst s2;
	s11 =	sshrl.u32 s9, $0x1  }
0xc: {  	s5 =	smin.u32 s5, $0x4;
	s13 =	sor.u32 s6, s13;
	_ =	strace $0x80000047  }
0xd: {  	s9 =	ssub.s32 s9, s11;
	s11 =	sshrl.u32 s30, $0x2;
	s5 =	sadd.s32 s5, s10  }
0xe: {  	s31 =	sshrl.u32 s13, $0x3;
	s13 =	simm.s32 $0x3;
	s10 =	sshll.u32 s5, $0x5  }
0xf: {  	s8 =	sadd.s32 s8, s31;
	s5 =	sshll.u32 s5, $0x6;
	s3 =	sadd.s32 s3, s10  }
0x10: {  	s4 =	sadd.s32 s4, s5;
	s5 =	simm.s32 $0x2780;
	s10 =	sshrl.u32 s29, $0x2  }
0x11: {  	s9 =	smax.u32 s9, $0x1;
	s5 =	simm.s32 @!p0 $0x2700;
	s10 =	sadd.s32 s10, s7  }
0x12: {  	s7 =	sadd.s32 s11, s7;
	p0 =	sgt.u32 s0, $0x1;
	s11 =	simm.s32 $0x80  }
0x13: {  	v0 =	vimm.f32 $0.0e+00;
	s6 =	sadd.s32 s12, s10;
	s10 =	simm.s32 $0xED00;
	s12 =	simm.s32 $0x400  }
.LBB2_1:
0x14: {  	s19 =	simm.s32 @p0 $0x0  }
0x15: {  	[tilespmem:s19], [sflag:$0x1] =	stream.linear.gather @p0 [hbm4b:s3+s19], $0x4E00, $0x38;
	[tilespmem:$0x16780] =	vst v63  }
0x16: {  	s20 =	simm.s32 @p0 $0x4F00  }
0x17: {  	[tilespmem:s20], [sflag:$0x2] =	stream.linear.gather @p0 [hbm4b:s4+s19], $0x9C00, $0x38;
	[tilespmem:$0x16780] =	vst v63  }
0x18: {  	s19 =	simm.s32 @p0 $0x1  }
0x19: {  	_ =	swait.ge @p0 [sflag:s19], $0x4E00  }
0x1a: {  	[sflag:s19] =	ssyncset.done @p0 $0x0  }
0x1b: {  	[sflag:s19] =	ssyncadd.s32 @p0 $0xFFFFB200;
	s19 =	simm.s32 @p0 $0x2  }
0x1c: {  	_ =	swait.ge @p0 [sflag:s19], $0x9C00  }
0x1d: {  	[sflag:s19] =	ssyncset.done @p0 $0x0  }
0x1e: {  	[sflag:s19] =	ssyncadd.s32 @p0 $0xFFFF6400;
	s19 =	simm.s32 @!p0 $0x0  }
0x1f: {  	[tilespmem:s19], [sflag:$0x1] =	stream.linear.gather @!p0 [hbm4b:s3+s19], $0x4F00, $0x38;
	[tilespmem:$0x16780] =	vst v63  }
0x20: {  	s20 =	simm.s32 @!p0 $0x4F00  }
0x21: {  	[tilespmem:s20], [sflag:$0x2] =	stream.linear.gather @!p0 [hbm4b:s4+s19], $0x9E00, $0x38;
	[tilespmem:$0x16780] =	vst v63  }
0x22: {  	s19 =	simm.s32 @!p0 $0x1  }
0x23: {  	_ =	swait.ge @!p0 [sflag:s19], $0x4F00  }
0x24: {  	[sflag:s19] =	ssyncset.done @!p0 $0x0  }
0x25: {  	[sflag:s19] =	ssyncadd.s32 @!p0 $0xFFFFB100;
	s19 =	simm.s32 @!p0 $0x2  }
0x26: {  	_ =	swait.ge @!p0 [sflag:s19], $0x9E00  }
0x27: {  	[sflag:s19] =	ssyncset.done @!p0 $0x0  }
0x28: {  	[sflag:s19] =	ssyncadd.s32 @!p0 $0xFFFF6200;
	s19 =	simm.s32 $0x0  }
.LBB2_2:
0x29: {  	p1 =	sne.s32 s19, $0x9FC0  }
.Ltmp0:
0x2a: {  	_ = 	snop;
	(pc) =	sbr.rel @p1 .LBB2_2-.Ltmp0, $3  }
0x2b: {  	_ =	sdelay $0x1  }
0x2c: {  	s20 =	sshra.s32 s19, $0x2  }
0x2d: {  	s19 =	sadd.s32 $0x40, s19;
	[tilespmem:s20+$0xED00] =	vst v0  }
0x2e: {  	s19 =	simm.s32 $0x0  }
0x2f: {  	s21 =	simm.s32 $0x0;
	p1 =	sne.s32 s5, $0x10;
	s20 =	sand.u32 $0x70, s19  }
.Ltmp1:
0x30: {  	s21 =	sor.u32 s20, s21;
	(pc) =	sbr.rel @!p1 .LBB2_5-.Ltmp1, $4  }
0x31: {  	v1 =	vld [tilespmem:s21+$0x0]  }
0x32: {  	s22 =	simm.s32 $0x0  }
0x33: {  	s22 =	sor.u32 s20, s22  }
0x34: {  	s21 =	simm.s32 $0x10;
	v2 =	vld [tilespmem:s22+$0x4F80]  }
.LBB2_4:
0x35: {  	_ = 	snop  }
0x36: {  	s22 =	sshrl.u32 s21, $0x7;
	s23 =	smov.u32 s21;
	s21 =	sadd.s32 $0x10, s21  }
0x37: {  	s24 =	sshll.u32 s22, $0xA;
	p1 =	sne.s32 s5, s21  }
0x38: {  	s23 =	sand.u32 $0x70, s23;
	s24 =	sshra.s32 s24, $0x2  }
.Ltmp2:
0x39: {  	s24 =	sor.u32 s23, s24;
	[tilespmem:v1+s10+$0x0] =	vst.idx.add.f32.msk $0xffff, v2;
	(pc) =	sbr.rel @p1 .LBB2_4-.Ltmp2, $4  }
0x3a: {  	s22 =	sshll.u32 s22, $0xB;
	v1 =	vld [tilespmem:s24+$0x0]  }
0x3b: {  	s22 =	sshra.s32 s22, $0x2  }
0x3c: {  	s22 =	sor.u32 s23, s22  }
0x3d: {  	v2 =	vld [tilespmem:s22+$0x4F80]  }
.LBB2_5:
0x3e: {  	_ =	sdelay $0x4  }
0x3f: {  	[tilespmem:v1+s10+$0x0] =	vst.idx.add.f32.msk $0xffff, v2  }
0x40: {  	[spmem:s6] =	stream.strided.scatter [tilespmem:s10], [sflag:$0x3], $0x2800, s12, s11, $0x38;
	[tilespmem:$0x16780] =	vst v63  }
0x41: {  	_ =	swait.ge [sflag:s13], $0x2800  }
0x42: {  	[sflag:s13] =	ssyncset.done $0x0  }
0x43: {  	[sflag:s13] =	ssyncadd.s32 $0xFFFFD800  }
0x44: {  	[bflag:$0x0] =	sbarrier.arrive $0xFFFF  }
0x45: {  	[tilespmem:s16], [sflag:$0x3] =	stream.strided.gather [spmem:s7], $0x2800, s15, s14, $0x38;
	[tilespmem:$0x16780] =	vst v63  }
0x46: {  	s21 =	sand.u32 $0x7000, s19;
	_ =	swait.ge [sflag:s13], $0x2800  }
0x47: {  	s21 =	sshrl.u32 s21, $0x2;
	[sflag:s13] =	ssyncset.done $0x0  }
0x48: {  	s20 =	sor.u32 s20, s21;
	[sflag:s13] =	ssyncadd.s32 $0xFFFFD800  }
0x49: {  	v1 =	vld [tilespmem:s20+$0x11500];
	_ =	sdelay $0x1  }
0x4a: {  	s31 =	simm.s32 $0x200  }
0x4b: {  	s22 =	sand.u32 $0x7000, s31;
	s21 =	simm.s32 $0x10  }
0x4c: {  	s22 =	sshrl.u32 s22, $0x2;
	s23 =	sand.u32 $0x70, s21;
	s20 =	simm.s32 $0x13D00  }
0x4d: {  	s23 =	sor.u32 s23, s22;
	[tilespmem:s20+$0x0] =	vst v1  }
0x4e: {  	v1 =	vld [tilespmem:s23+$0x11500]  }
0x4f: {  	s24 =	simm.s32 $0x400;
	s22 =	simm.s32 $0x20;
	s23 =	simm.s32 $0x13D00  }
.LBB2_6:
0x50: {  	s25 =	sand.u32 $0x7000, s24;
	p1 =	sne.s32 s22, $0x270  }
0x51: {  	s26 =	smov.u32 s22;
	s22 =	sadd.s32 $0x10, s22;
	s23 =	sadd.s32 $0x10, s23  }
.Ltmp3:
0x52: {  	s26 =	sand.u32 $0x70, s26;
	s25 =	sshrl.u32 s25, $0x2;
	(pc) =	sbr.rel @p1 .LBB2_6-.Ltmp3, $3  }
0x53: {  	s25 =	sor.u32 s26, s25;
	[tilespmem:s23+$0x0] =	vst v1  }
0x54: {  	v1 =	vld [tilespmem:s25+$0x11500];
	_ =	sdelay $0x1  }
0x55: {  	s24 =	sadd.s32 $0x200, s24  }
0x56: {  	_ = 	snop  }
0x57: {  	s22 =	sadd.s32 $0x10, s23;
	s29 =	sand.u32 $0x70, s19;
	s30 =	sand.u32 $0x1C00, s19  }
0x58: {  	s19 =	sor.u32 s29, s30;
	[tilespmem:s22+$0x0] =	vst v1  }
0x59: {  	v1 =	vld [tilespmem:s19+$0x11580]  }
0x5a: {  	v2 =	vld [tilespmem:s20+$0x0];
	_ =	sdelay $0x4  }
0x5b: {  	s19 =	simm.s32 $0x80;
	v1 =	vadd.f32 v1, v2  }
0x5c: {  	s21 =	sand.u32 $0x70, s21;
	s31 =	sand.u32 $0x1C00, s19  }
0x5d: {  	s22 =	sor.u32 s21, s31;
	s21 =	simm.s32 $0x20;
	[tilespmem:s20+$0x0] =	vst v1  }
.LBB2_8:
0x5e: {  	p1 =	sne.s32 s21, $0x270;
	v1 =	vld [tilespmem:s22+$0x11580];
	s20 =	sadd.s32 $0x10, s20  }
0x5f: {  	v2 =	vld [tilespmem:s20+$0x0];
	_ =	sdelay $0x2  }
.Ltmp4:
0x60: {  	(pc) =	sbr.rel @p1 .LBB2_8-.Ltmp4, $4  }
0x61: {  	_ = 	snop  }
0x62: {  	s19 =	sadd.s32 $0x80, s19;
	v1 =	vadd.f32 v1, v2  }
0x63: {  	s22 =	sand.u32 $0x70, s21;
	s23 =	sand.u32 $0x1C00, s19  }
0x64: {  	s21 =	sadd.s32 $0x10, s21;
	s22 =	sor.u32 s22, s23;
	[tilespmem:s20+$0x0] =	vst v1  }
0x65: {  	v1 =	vld [tilespmem:s22+$0x11580];
	s30 =	sadd.s32 $0x10, s20  }
0x66: {  	v2 =	vld [tilespmem:s30+$0x0];
	_ =	sdelay $0x1  }
0x67: {  	p2 =	por $0x1, $0x1  }
.Ltmp5:
0x68: {  	_ = 	snop;
	(pc) =	sbr.rel @!p2 .LBB2_13-.Ltmp5, $4  }
0x69: {  	s31 =	simm.s32 $0x0  }
0x6a: {  	s19 =	simm.s32 $0x13D00;
	s21 =	sand.u32 $0x70, s31;
	s20 =	sand.u32 $0x1C00, s31;
	v1 =	vadd.f32 v1, v2  }
0x6b: {  	p1 =	por $0x0, $0x0;
	s23 =	simm.s32 $0x13D00;
	s20 =	sor.u32 s21, s20  }
0x6c: {  	p3 =	por $0x0, $0x0;
	s21 =	simm.s32 $0x10;
	s25 =	smov.u32 s20;
	[tilespmem:s30+$0x0] =	vst v1  }
0x6d: {  	v1 =	vld [tilespmem:s20+$0x11600]  }
0x6e: {  	v2 =	vld [tilespmem:s19+$0x0];
	_ =	sdelay $0x1  }
0x6f: {  	p4 =	por $0x1, $0x1  }
.Ltmp6:
0x70: {  	_ = 	snop;
	(pc) =	sbr.rel @!p4 .LBB2_11-.Ltmp6, $4  }
0x71: {  	_ = 	snop  }
0x72: {  	s22 =	simm.s32 $0x80;
	v1 =	vadd.f32 v1, v2  }
0x73: {  	s23 =	sand.u32 $0x70, s21;
	p3 =	por $0x1, $0x1;
	s24 =	sand.u32 $0x1C00, s22  }
0x74: {  	s25 =	sor.u32 s23, s24;
	s24 =	simm.s32 $0x20;
	s23 =	simm.s32 $0x13D00;
	[tilespmem:s19+$0x0] =	vst v1  }
.LBB2_12:
0x75: {  	p4 =	sne.s32 s24, $0x270;
	v1 =	vld [tilespmem:s25+$0x11600];
	s23 =	sadd.s32 $0x10, s23  }
0x76: {  	v2 =	vld [tilespmem:s23+$0x0];
	_ =	sdelay $0x2  }
.Ltmp7:
0x77: {  	(pc) =	sbr.rel @p4 .LBB2_12-.Ltmp7, $4  }
0x78: {  	_ = 	snop  }
0x79: {  	s22 =	sadd.s32 $0x80, s22;
	v1 =	vadd.f32 v1, v2  }
0x7a: {  	s25 =	sand.u32 $0x70, s24;
	s26 =	sand.u32 $0x1C00, s22  }
0x7b: {  	s24 =	sadd.s32 $0x10, s24;
	s25 =	sor.u32 s25, s26;
	[tilespmem:s23+$0x0] =	vst v1  }
.LBB2_13:
0x7c: {  	s22 =	sadd.s32 @p3 $0x10, s23;
	s23 =	simm.s32 $0x13D00  }
0x7d: {  	v1 =	vld [tilespmem:s25+$0x11600];
	s23 =	smov.u32 @p3 s22  }
0x7e: {  	v2 =	vld [tilespmem:s23+$0x0];
	_ =	sdelay $0x2  }
.Ltmp8:
0x7f: {  	_ = 	snop;
	(pc) =	sbr.rel @!p2 .LBB2_14-.Ltmp8, $3  }
0x80: {  	_ = 	snop  }
0x81: {  	v1 =	vadd.f32 v1, v2;
	_ =	sdelay $0x1  }
0x82: {  	[tilespmem:s23+$0x0] =	vst v1  }
0x83: {  	v1 =	vld [tilespmem:s20+$0x11680]  }
0x84: {  	v2 =	vld [tilespmem:s19+$0x0];
	_ =	sdelay $0x1  }
0x85: {  	p2 =	por $0x1, $0x1  }
.Ltmp9:
0x86: {  	_ = 	snop;
	(pc) =	sbr.rel @!p2 .LBB2_16-.Ltmp9, $4  }
0x87: {  	_ = 	snop  }
0x88: {  	s22 =	simm.s32 $0x80;
	v1 =	vadd.f32 v1, v2  }
0x89: {  	s30 =	sand.u32 $0x70, s21;
	s23 =	simm.s32 $0x20;
	s31 =	sand.u32 $0x1C00, s22  }
0x8a: {  	p1 =	por $0x1, $0x1;
	s21 =	simm.s32 $0x13D00;
	s20 =	sor.u32 s30, s31;
	[tilespmem:s19+$0x0] =	vst v1  }
.LBB2_17:
0x8b: {  	p2 =	sne.s32 s23, $0x270;
	v1 =	vld [tilespmem:s20+$0x11680];
	s21 =	sadd.s32 $0x10, s21  }
0x8c: {  	v2 =	vld [tilespmem:s21+$0x0];
	_ =	sdelay $0x2  }
.Ltmp10:
0x8d: {  	(pc) =	sbr.rel @p2 .LBB2_17-.Ltmp10, $4  }
0x8e: {  	_ = 	snop  }
0x8f: {  	s22 =	sadd.s32 $0x80, s22;
	v1 =	vadd.f32 v1, v2  }
0x90: {  	s20 =	sand.u32 $0x70, s23;
	s24 =	sand.u32 $0x1C00, s22  }
0x91: {  	s23 =	sadd.s32 $0x10, s23;
	s20 =	sor.u32 s20, s24;
	[tilespmem:s21+$0x0] =	vst v1  }
.LBB2_18:
0x92: {  	s21 =	sadd.s32 @p1 $0x10, s21  }
0x93: {  	v1 =	vld [tilespmem:s20+$0x11680];
	s19 =	smov.u32 @p1 s21  }
0x94: {  	v2 =	vld [tilespmem:s19+$0x0];
	_ =	sdelay $0x1  }
0x95: {  	p2 =	por $0x1, $0x1  }
.Ltmp11:
0x96: {  	_ = 	snop;
	(pc) =	sbr.rel @!p2 .LBB2_22-.Ltmp11, $4  }
0x97: {  	s31 =	simm.s32 $0x0  }
0x98: {  	s20 =	simm.s32 $0x13D00;
	s22 =	sand.u32 $0x70, s31;
	s21 =	sand.u32 $0x1C00, s31;
	v1 =	vadd.f32 v1, v2  }
0x99: {  	s23 =	simm.s32 $0x13D00;
	p3 =	por $0x0, $0x0;
	s21 =	sor.u32 s22, s21  }
0x9a: {  	p1 =	por $0x0, $0x0;
	s22 =	simm.s32 $0x10;
	s25 =	smov.u32 s21;
	[tilespmem:s19+$0x0] =	vst v1  }
0x9b: {  	v1 =	vld [tilespmem:s21+$0x11700]  }
0x9c: {  	v2 =	vld [tilespmem:s20+$0x0];
	_ =	sdelay $0x1  }
0x9d: {  	p4 =	por $0x1, $0x1  }
.Ltmp12:
0x9e: {  	_ = 	snop;
	(pc) =	sbr.rel @!p4 .LBB2_20-.Ltmp12, $4  }
0x9f: {  	_ = 	snop  }
0xa0: {  	s19 =	simm.s32 $0x80;
	v1 =	vadd.f32 v1, v2  }
0xa1: {  	s23 =	sand.u32 $0x70, s22;
	p3 =	por $0x1, $0x1;
	s24 =	sand.u32 $0x1C00, s19  }
0xa2: {  	s25 =	sor.u32 s23, s24;
	s24 =	simm.s32 $0x20;
	s23 =	simm.s32 $0x13D00;
	[tilespmem:s20+$0x0] =	vst v1  }
.LBB2_21:
0xa3: {  	p4 =	sne.s32 s24, $0x270;
	v1 =	vld [tilespmem:s25+$0x11700];
	s23 =	sadd.s32 $0x10, s23  }
0xa4: {  	v2 =	vld [tilespmem:s23+$0x0];
	_ =	sdelay $0x2  }
.Ltmp13:
0xa5: {  	(pc) =	sbr.rel @p4 .LBB2_21-.Ltmp13, $4  }
0xa6: {  	_ = 	snop  }
0xa7: {  	s19 =	sadd.s32 $0x80, s19;
	v1 =	vadd.f32 v1, v2  }
0xa8: {  	s25 =	sand.u32 $0x70, s24;
	s26 =	sand.u32 $0x1C00, s19  }
0xa9: {  	s24 =	sadd.s32 $0x10, s24;
	s25 =	sor.u32 s25, s26;
	[tilespmem:s23+$0x0] =	vst v1  }
.LBB2_22:
0xaa: {  	s19 =	sadd.s32 @p3 $0x10, s23;
	s23 =	simm.s32 $0x13D00  }
0xab: {  	v1 =	vld [tilespmem:s25+$0x11700];
	s23 =	smov.u32 @p3 s19  }
0xac: {  	v2 =	vld [tilespmem:s23+$0x0];
	_ =	sdelay $0x2  }
.Ltmp14:
0xad: {  	_ = 	snop;
	(pc) =	sbr.rel @!p2 .LBB2_23-.Ltmp14, $3  }
0xae: {  	_ = 	snop  }
0xaf: {  	v1 =	vadd.f32 v1, v2;
	_ =	sdelay $0x1  }
0xb0: {  	[tilespmem:s23+$0x0] =	vst v1  }
0xb1: {  	v1 =	vld [tilespmem:s21+$0x11780]  }
0xb2: {  	v2 =	vld [tilespmem:s20+$0x0];
	_ =	sdelay $0x1  }
0xb3: {  	p2 =	por $0x1, $0x1  }
.Ltmp15:
0xb4: {  	_ = 	snop;
	(pc) =	sbr.rel @!p2 .LBB2_25-.Ltmp15, $4  }
0xb5: {  	_ = 	snop  }
0xb6: {  	s19 =	simm.s32 $0x80;
	v1 =	vadd.f32 v1, v2  }
0xb7: {  	s30 =	sand.u32 $0x70, s22;
	s23 =	simm.s32 $0x20;
	s31 =	sand.u32 $0x1C00, s19  }
0xb8: {  	p1 =	por $0x1, $0x1;
	s22 =	simm.s32 $0x13D00;
	s21 =	sor.u32 s30, s31;
	[tilespmem:s20+$0x0] =	vst v1  }
.LBB2_26:
0xb9: {  	p2 =	sne.s32 s23, $0x270;
	v1 =	vld [tilespmem:s21+$0x11780];
	s22 =	sadd.s32 $0x10, s22  }
0xba: {  	v2 =	vld [tilespmem:s22+$0x0];
	_ =	sdelay $0x2  }
.Ltmp16:
0xbb: {  	(pc) =	sbr.rel @p2 .LBB2_26-.Ltmp16, $4  }
0xbc: {  	_ = 	snop  }
0xbd: {  	s19 =	sadd.s32 $0x80, s19;
	v1 =	vadd.f32 v1, v2  }
0xbe: {  	s21 =	sand.u32 $0x70, s23;
	s24 =	sand.u32 $0x1C00, s19  }
0xbf: {  	s23 =	sadd.s32 $0x10, s23;
	s21 =	sor.u32 s21, s24;
	[tilespmem:s22+$0x0] =	vst v1  }
.LBB2_27:
0xc0: {  	s19 =	sadd.s32 @p1 $0x10, s22  }
0xc1: {  	v1 =	vld [tilespmem:s21+$0x11780];
	s20 =	smov.u32 @p1 s19  }
0xc2: {  	v2 =	vld [tilespmem:s20+$0x0];
	_ =	sdelay $0x1  }
0xc3: {  	p2 =	por $0x1, $0x1  }
.Ltmp17:
0xc4: {  	_ = 	snop;
	(pc) =	sbr.rel @!p2 .LBB2_28-.Ltmp17, $4  }
0xc5: {  	_ = 	snop  }
0xc6: {  	s21 =	simm.s32 $0x0;
	v1 =	vadd.f32 v1, v2  }
0xc7: {  	s19 =	simm.s32 $0x13D00;
	s31 =	sand.u32 $0x70, s21;
	s23 =	sand.u32 $0x1C00, s21  }
0xc8: {  	p1 =	por $0x0, $0x0;
	s24 =	sor.u32 s31, s23;
	[tilespmem:s20+$0x0] =	vst v1;
	s20 =	simm.s32 $0x10  }
0xc9: {  	v1 =	vld [tilespmem:s24+$0x11800]  }
0xca: {  	v2 =	vld [tilespmem:s19+$0x0];
	_ =	sdelay $0x1  }
0xcb: {  	p4 =	por $0x1, $0x1  }
.Ltmp18:
0xcc: {  	_ = 	snop;
	(pc) =	sbr.rel @!p4 .LBB2_30-.Ltmp18, $4  }
0xcd: {  	_ = 	snop  }
0xce: {  	s22 =	simm.s32 $0x80;
	v1 =	vadd.f32 v1, v2  }
0xcf: {  	s23 =	sand.u32 $0x70, s20;
	s25 =	simm.s32 $0x20;
	s31 =	sand.u32 $0x1C00, s22  }
0xd0: {  	p3 =	por $0x1, $0x1;
	s24 =	sor.u32 s23, s31;
	s23 =	simm.s32 $0x13D00;
	[tilespmem:s19+$0x0] =	vst v1  }
.LBB2_31:
0xd1: {  	p4 =	sne.s32 s25, $0x270;
	v1 =	vld [tilespmem:s24+$0x11800];
	s23 =	sadd.s32 $0x10, s23  }
0xd2: {  	v2 =	vld [tilespmem:s23+$0x0];
	_ =	sdelay $0x2  }
.Ltmp19:
0xd3: {  	(pc) =	sbr.rel @p4 .LBB2_31-.Ltmp19, $4  }
0xd4: {  	_ = 	snop  }
0xd5: {  	s22 =	sadd.s32 $0x80, s22;
	v1 =	vadd.f32 v1, v2  }
0xd6: {  	s24 =	sand.u32 $0x70, s25;
	s26 =	sand.u32 $0x1C00, s22  }
0xd7: {  	s25 =	sadd.s32 $0x10, s25;
	s24 =	sor.u32 s24, s26;
	[tilespmem:s23+$0x0] =	vst v1  }
.LBB2_32:
0xd8: {  	s22 =	sadd.s32 @p3 $0x10, s23;
	s23 =	simm.s32 $0x13D00  }
0xd9: {  	v1 =	vld [tilespmem:s24+$0x11800];
	s23 =	smov.u32 @p3 s22  }
0xda: {  	v2 =	vld [tilespmem:s23+$0x0];
	_ =	sdelay $0x2  }
.Ltmp20:
0xdb: {  	_ = 	snop;
	(pc) =	sbr.rel @!p2 .LBB2_33-.Ltmp20, $4  }
0xdc: {  	_ = 	snop  }
0xdd: {  	v1 =	vadd.f32 v1, v2  }
0xde: {  	s21 =	sor.u32 s21, s21  }
0xdf: {  	[tilespmem:s23+$0x0] =	vst v1;
	s23 =	sor.u32 $0x380, s21  }
0xe0: {  	v1 =	vld [tilespmem:s23+$0x11500]  }
0xe1: {  	v2 =	vld [tilespmem:s19+$0x0];
	_ =	sdelay $0x1  }
0xe2: {  	p2 =	por $0x1, $0x1  }
.Ltmp21:
0xe3: {  	_ = 	snop;
	(pc) =	sbr.rel @!p2 .LBB2_35-.Ltmp21, $4  }
0xe4: {  	_ = 	snop  }
0xe5: {  	s21 =	simm.s32 $0x80;
	v1 =	vadd.f32 v1, v2  }
0xe6: {  	s22 =	simm.s32 $0x20;
	s20 =	sor.u32 s21, s20  }
0xe7: {  	p1 =	por $0x1, $0x1;
	s23 =	sor.u32 $0x380, s20;
	s20 =	simm.s32 $0x13D00;
	[tilespmem:s19+$0x0] =	vst v1  }
.LBB2_36:
0xe8: {  	p2 =	sne.s32 s22, $0x270;
	v1 =	vld [tilespmem:s23+$0x11500];
	s20 =	sadd.s32 $0x10, s20  }
0xe9: {  	v2 =	vld [tilespmem:s20+$0x0];
	_ =	sdelay $0x2  }
.Ltmp22:
0xea: {  	(pc) =	sbr.rel @p2 .LBB2_36-.Ltmp22, $4  }
0xeb: {  	_ = 	snop  }
0xec: {  	s21 =	sadd.s32 $0x80, s21;
	v1 =	vadd.f32 v1, v2  }
0xed: {  	s23 =	sor.u32 s21, s22  }
0xee: {  	s22 =	sadd.s32 $0x10, s22;
	s23 =	sor.u32 $0x380, s23;
	[tilespmem:s20+$0x0] =	vst v1  }
.LBB2_37:
0xef: {  	s20 =	sadd.s32 @p1 $0x10, s20  }
0xf0: {  	v1 =	vld [tilespmem:s23+$0x11500];
	s19 =	smov.u32 @p1 s20  }
0xf1: {  	v2 =	vld [tilespmem:s19+$0x0];
	_ =	sdelay $0x1  }
0xf2: {  	p2 =	por $0x1, $0x1  }
.Ltmp23:
0xf3: {  	_ = 	snop;
	(pc) =	sbr.rel @!p2 .LBB2_41-.Ltmp23, $4  }
0xf4: {  	s21 =	simm.s32 $0x0  }
0xf5: {  	s23 =	simm.s32 $0x13D00;
	s22 =	sand.u32 $0x70, s21;
	s21 =	sand.u32 $0x1C00, s21;
	v1 =	vadd.f32 v1, v2  }
0xf6: {  	p3 =	por $0x0, $0x0;
	s20 =	simm.s32 $0x13D00;
	s21 =	sor.u32 s22, s21  }
0xf7: {  	p1 =	por $0x0, $0x0;
	s22 =	simm.s32 $0x10;
	s25 =	smov.u32 s21;
	[tilespmem:s19+$0x0] =	vst v1  }
0xf8: {  	v1 =	vld [tilespmem:s21+$0x12900]  }
0xf9: {  	v2 =	vld [tilespmem:s20+$0x0];
	_ =	sdelay $0x1  }
0xfa: {  	p4 =	por $0x1, $0x1  }
.Ltmp24:
0xfb: {  	_ = 	snop;
	(pc) =	sbr.rel @!p4 .LBB2_39-.Ltmp24, $4  }
0xfc: {  	_ = 	snop  }
0xfd: {  	s19 =	simm.s32 $0x80;
	v1 =	vadd.f32 v1, v2  }
0xfe: {  	s23 =	sand.u32 $0x70, s22;
	p3 =	por $0x1, $0x1;
	s24 =	sand.u32 $0x1C00, s19  }
0xff: {  	s25 =	sor.u32 s23, s24;
	s24 =	simm.s32 $0x20;
	s23 =	simm.s32 $0x13D00;
	[tilespmem:s20+$0x0] =	vst v1  }
.LBB2_40:
0x100: {  	p4 =	sne.s32 s24, $0x270;
	v1 =	vld [tilespmem:s25+$0x12900];
	s23 =	sadd.s32 $0x10, s23  }
0x101: {  	v2 =	vld [tilespmem:s23+$0x0];
	_ =	sdelay $0x2  }
.Ltmp25:
0x102: {  	(pc) =	sbr.rel @p4 .LBB2_40-.Ltmp25, $4  }
0x103: {  	_ = 	snop  }
0x104: {  	s19 =	sadd.s32 $0x80, s19;
	v1 =	vadd.f32 v1, v2  }
0x105: {  	s25 =	sand.u32 $0x70, s24;
	s26 =	sand.u32 $0x1C00, s19  }
0x106: {  	s24 =	sadd.s32 $0x10, s24;
	s25 =	sor.u32 s25, s26;
	[tilespmem:s23+$0x0] =	vst v1  }
.LBB2_41:
0x107: {  	s19 =	sadd.s32 @p3 $0x10, s23;
	s23 =	simm.s32 $0x13D00  }
0x108: {  	v1 =	vld [tilespmem:s25+$0x12900];
	s23 =	smov.u32 @p3 s19  }
0x109: {  	v2 =	vld [tilespmem:s23+$0x0];
	_ =	sdelay $0x2  }
.Ltmp26:
0x10a: {  	_ = 	snop;
	(pc) =	sbr.rel @!p2 .LBB2_42-.Ltmp26, $3  }
0x10b: {  	_ = 	snop  }
0x10c: {  	v1 =	vadd.f32 v1, v2;
	_ =	sdelay $0x1  }
0x10d: {  	[tilespmem:s23+$0x0] =	vst v1  }
0x10e: {  	v1 =	vld [tilespmem:s21+$0x12980]  }
0x10f: {  	v2 =	vld [tilespmem:s20+$0x0];
	_ =	sdelay $0x1  }
0x110: {  	p2 =	por $0x1, $0x1  }
.Ltmp27:
0x111: {  	_ = 	snop;
	(pc) =	sbr.rel @!p2 .LBB2_44-.Ltmp27, $4  }
0x112: {  	_ = 	snop  }
0x113: {  	s19 =	simm.s32 $0x80;
	v1 =	vadd.f32 v1, v2  }
0x114: {  	s30 =	sand.u32 $0x70, s22;
	s23 =	simm.s32 $0x20;
	s31 =	sand.u32 $0x1C00, s19  }
0x115: {  	p1 =	por $0x1, $0x1;
	s22 =	simm.s32 $0x13D00;
	s21 =	sor.u32 s30, s31;
	[tilespmem:s20+$0x0] =	vst v1  }
.LBB2_45:
0x116: {  	p2 =	sne.s32 s23, $0x270;
	v1 =	vld [tilespmem:s21+$0x12980];
	s22 =	sadd.s32 $0x10, s22  }
0x117: {  	v2 =	vld [tilespmem:s22+$0x0];
	_ =	sdelay $0x2  }
.Ltmp28:
0x118: {  	(pc) =	sbr.rel @p2 .LBB2_45-.Ltmp28, $4  }
0x119: {  	_ = 	snop  }
0x11a: {  	s19 =	sadd.s32 $0x80, s19;
	v1 =	vadd.f32 v1, v2  }
0x11b: {  	s21 =	sand.u32 $0x70, s23;
	s24 =	sand.u32 $0x1C00, s19  }
0x11c: {  	s23 =	sadd.s32 $0x10, s23;
	s21 =	sor.u32 s21, s24;
	[tilespmem:s22+$0x0] =	vst v1  }
.LBB2_46:
0x11d: {  	s19 =	sadd.s32 @p1 $0x10, s22  }
0x11e: {  	v1 =	vld [tilespmem:s21+$0x12980];
	s20 =	smov.u32 @p1 s19  }
0x11f: {  	v2 =	vld [tilespmem:s20+$0x0];
	_ =	sdelay $0x1  }
0x120: {  	p2 =	por $0x1, $0x1  }
.Ltmp29:
0x121: {  	_ = 	snop;
	(pc) =	sbr.rel @!p2 .LBB2_50-.Ltmp29, $4  }
0x122: {  	s30 =	simm.s32 $0x0  }
0x123: {  	s22 =	simm.s32 $0x10;
	s31 =	sand.u32 $0x70, s30;
	s21 =	sand.u32 $0x1C00, s30;
	v1 =	vadd.f32 v1, v2  }
0x124: {  	s23 =	simm.s32 $0x13D00;
	p3 =	por $0x0, $0x0;
	s21 =	sor.u32 s31, s21  }
0x125: {  	s19 =	simm.s32 $0x13D00;
	p1 =	por $0x0, $0x0;
	s25 =	smov.u32 s21;
	[tilespmem:s20+$0x0] =	vst v1  }
0x126: {  	v1 =	vld [tilespmem:s21+$0x12A00]  }
0x127: {  	v2 =	vld [tilespmem:s19+$0x0];
	_ =	sdelay $0x1  }
0x128: {  	p4 =	por $0x1, $0x1  }
.Ltmp30:
0x129: {  	_ = 	snop;
	(pc) =	sbr.rel @!p4 .LBB2_48-.Ltmp30, $4  }
0x12a: {  	_ = 	snop  }
0x12b: {  	s20 =	simm.s32 $0x80;
	v1 =	vadd.f32 v1, v2  }
0x12c: {  	s23 =	sand.u32 $0x70, s22;
	p3 =	por $0x1, $0x1;
	s24 =	sand.u32 $0x1C00, s20  }
0x12d: {  	s25 =	sor.u32 s23, s24;
	s24 =	simm.s32 $0x20;
	s23 =	simm.s32 $0x13D00;
	[tilespmem:s19+$0x0] =	vst v1  }
.LBB2_49:
0x12e: {  	p4 =	sne.s32 s24, $0x270;
	v1 =	vld [tilespmem:s25+$0x12A00];
	s23 =	sadd.s32 $0x10, s23  }
0x12f: {  	v2 =	vld [tilespmem:s23+$0x0];
	_ =	sdelay $0x2  }
.Ltmp31:
0x130: {  	(pc) =	sbr.rel @p4 .LBB2_49-.Ltmp31, $4  }
0x131: {  	_ = 	snop  }
0x132: {  	s20 =	sadd.s32 $0x80, s20;
	v1 =	vadd.f32 v1, v2  }
0x133: {  	s25 =	sand.u32 $0x70, s24;
	s26 =	sand.u32 $0x1C00, s20  }
0x134: {  	s24 =	sadd.s32 $0x10, s24;
	s25 =	sor.u32 s25, s26;
	[tilespmem:s23+$0x0] =	vst v1  }
.LBB2_50:
0x135: {  	s20 =	sadd.s32 @p3 $0x10, s23;
	s23 =	simm.s32 $0x13D00  }
0x136: {  	v1 =	vld [tilespmem:s25+$0x12A00];
	s23 =	smov.u32 @p3 s20  }
0x137: {  	v2 =	vld [tilespmem:s23+$0x0];
	_ =	sdelay $0x2  }
.Ltmp32:
0x138: {  	_ = 	snop;
	(pc) =	sbr.rel @!p2 .LBB2_51-.Ltmp32, $3  }
0x139: {  	_ = 	snop  }
0x13a: {  	v1 =	vadd.f32 v1, v2;
	_ =	sdelay $0x1  }
0x13b: {  	[tilespmem:s23+$0x0] =	vst v1  }
0x13c: {  	v1 =	vld [tilespmem:s21+$0x12A80]  }
0x13d: {  	v2 =	vld [tilespmem:s19+$0x0];
	_ =	sdelay $0x1  }
0x13e: {  	p2 =	por $0x1, $0x1  }
.Ltmp33:
0x13f: {  	_ = 	snop;
	(pc) =	sbr.rel @!p2 .LBB2_53-.Ltmp33, $4  }
0x140: {  	_ = 	snop  }
0x141: {  	s20 =	simm.s32 $0x80;
	v1 =	vadd.f32 v1, v2  }
0x142: {  	s30 =	sand.u32 $0x70, s22;
	s23 =	simm.s32 $0x20;
	s31 =	sand.u32 $0x1C00, s20  }
0x143: {  	p1 =	por $0x1, $0x1;
	s22 =	simm.s32 $0x13D00;
	s21 =	sor.u32 s30, s31;
	[tilespmem:s19+$0x0] =	vst v1  }
.LBB2_54:
0x144: {  	p2 =	sne.s32 s23, $0x270;
	v1 =	vld [tilespmem:s21+$0x12A80];
	s22 =	sadd.s32 $0x10, s22  }
0x145: {  	v2 =	vld [tilespmem:s22+$0x0];
	_ =	sdelay $0x2  }
.Ltmp34:
0x146: {  	(pc) =	sbr.rel @p2 .LBB2_54-.Ltmp34, $4  }
0x147: {  	_ = 	snop  }
0x148: {  	s20 =	sadd.s32 $0x80, s20;
	v1 =	vadd.f32 v1, v2  }
0x149: {  	s21 =	sand.u32 $0x70, s23;
	s24 =	sand.u32 $0x1C00, s20  }
0x14a: {  	s23 =	sadd.s32 $0x10, s23;
	s21 =	sor.u32 s21, s24;
	[tilespmem:s22+$0x0] =	vst v1  }
.LBB2_55:
0x14b: {  	s20 =	sadd.s32 @p1 $0x10, s22  }
0x14c: {  	v1 =	vld [tilespmem:s21+$0x12A80];
	s19 =	smov.u32 @p1 s20  }
0x14d: {  	v2 =	vld [tilespmem:s19+$0x0];
	_ =	sdelay $0x1  }
0x14e: {  	p2 =	por $0x1, $0x1  }
.Ltmp35:
0x14f: {  	_ = 	snop;
	(pc) =	sbr.rel @!p2 .LBB2_59-.Ltmp35, $4  }
0x150: {  	s30 =	simm.s32 $0x0  }
0x151: {  	s22 =	simm.s32 $0x10;
	s31 =	sand.u32 $0x70, s30;
	s21 =	sand.u32 $0x1C00, s30;
	v1 =	vadd.f32 v1, v2  }
0x152: {  	s23 =	simm.s32 $0x13D00;
	p3 =	por $0x0, $0x0;
	s21 =	sor.u32 s31, s21  }
0x153: {  	s20 =	simm.s32 $0x13D00;
	p1 =	por $0x0, $0x0;
	s25 =	smov.u32 s21;
	[tilespmem:s19+$0x0] =	vst v1  }
0x154: {  	v1 =	vld [tilespmem:s21+$0x12B00]  }
0x155: {  	v2 =	vld [tilespmem:s20+$0x0];
	_ =	sdelay $0x1  }
0x156: {  	p4 =	por $0x1, $0x1  }
.Ltmp36:
0x157: {  	_ = 	snop;
	(pc) =	sbr.rel @!p4 .LBB2_57-.Ltmp36, $4  }
0x158: {  	_ = 	snop  }
0x159: {  	s19 =	simm.s32 $0x80;
	v1 =	vadd.f32 v1, v2  }
0x15a: {  	s23 =	sand.u32 $0x70, s22;
	p3 =	por $0x1, $0x1;
	s24 =	sand.u32 $0x1C00, s19  }
0x15b: {  	s25 =	sor.u32 s23, s24;
	s24 =	simm.s32 $0x20;
	s23 =	simm.s32 $0x13D00;
	[tilespmem:s20+$0x0] =	vst v1  }
.LBB2_58:
0x15c: {  	p4 =	sne.s32 s24, $0x270;
	v1 =	vld [tilespmem:s25+$0x12B00];
	s23 =	sadd.s32 $0x10, s23  }
0x15d: {  	v2 =	vld [tilespmem:s23+$0x0];
	_ =	sdelay $0x2  }
.Ltmp37:
0x15e: {  	(pc) =	sbr.rel @p4 .LBB2_58-.Ltmp37, $4  }
0x15f: {  	_ = 	snop  }
0x160: {  	s19 =	sadd.s32 $0x80, s19;
	v1 =	vadd.f32 v1, v2  }
0x161: {  	s25 =	sand.u32 $0x70, s24;
	s26 =	sand.u32 $0x1C00, s19  }
0x162: {  	s24 =	sadd.s32 $0x10, s24;
	s25 =	sor.u32 s25, s26;
	[tilespmem:s23+$0x0] =	vst v1  }
.LBB2_59:
0x163: {  	s19 =	sadd.s32 @p3 $0x10, s23;
	s23 =	simm.s32 $0x13D00  }
0x164: {  	v1 =	vld [tilespmem:s25+$0x12B00];
	s23 =	smov.u32 @p3 s19  }
0x165: {  	v2 =	vld [tilespmem:s23+$0x0];
	_ =	sdelay $0x2  }
.Ltmp38:
0x166: {  	_ = 	snop;
	(pc) =	sbr.rel @!p2 .LBB2_60-.Ltmp38, $3  }
0x167: {  	_ = 	snop  }
0x168: {  	v1 =	vadd.f32 v1, v2;
	_ =	sdelay $0x1  }
0x169: {  	[tilespmem:s23+$0x0] =	vst v1  }
0x16a: {  	v1 =	vld [tilespmem:s21+$0x12B80]  }
0x16b: {  	v2 =	vld [tilespmem:s20+$0x0];
	_ =	sdelay $0x1  }
0x16c: {  	p2 =	por $0x1, $0x1  }
.Ltmp39:
0x16d: {  	_ = 	snop;
	(pc) =	sbr.rel @!p2 .LBB2_62-.Ltmp39, $4  }
0x16e: {  	_ = 	snop  }
0x16f: {  	s19 =	simm.s32 $0x80;
	v1 =	vadd.f32 v1, v2  }
0x170: {  	s30 =	sand.u32 $0x70, s22;
	s23 =	simm.s32 $0x20;
	s31 =	sand.u32 $0x1C00, s19  }
0x171: {  	p1 =	por $0x1, $0x1;
	s22 =	simm.s32 $0x13D00;
	s21 =	sor.u32 s30, s31;
	[tilespmem:s20+$0x0] =	vst v1  }
.LBB2_63:
0x172: {  	p2 =	sne.s32 s23, $0x270;
	v1 =	vld [tilespmem:s21+$0x12B80];
	s22 =	sadd.s32 $0x10, s22  }
0x173: {  	v2 =	vld [tilespmem:s22+$0x0];
	_ =	sdelay $0x2  }
.Ltmp40:
0x174: {  	(pc) =	sbr.rel @p2 .LBB2_63-.Ltmp40, $4  }
0x175: {  	_ = 	snop  }
0x176: {  	s19 =	sadd.s32 $0x80, s19;
	v1 =	vadd.f32 v1, v2  }
0x177: {  	s21 =	sand.u32 $0x70, s23;
	s24 =	sand.u32 $0x1C00, s19  }
0x178: {  	s23 =	sadd.s32 $0x10, s23;
	s21 =	sor.u32 s21, s24;
	[tilespmem:s22+$0x0] =	vst v1  }
.LBB2_64:
0x179: {  	s19 =	sadd.s32 @p1 $0x10, s22  }
0x17a: {  	v1 =	vld [tilespmem:s21+$0x12B80];
	s20 =	smov.u32 @p1 s19  }
0x17b: {  	v2 =	vld [tilespmem:s20+$0x0];
	_ =	sdelay $0x1  }
0x17c: {  	p2 =	por $0x1, $0x1  }
.Ltmp41:
0x17d: {  	_ = 	snop;
	(pc) =	sbr.rel @!p2 .LBB2_68-.Ltmp41, $4  }
0x17e: {  	s30 =	simm.s32 $0x0  }
0x17f: {  	s22 =	simm.s32 $0x10;
	s31 =	sand.u32 $0x70, s30;
	s21 =	sand.u32 $0x1C00, s30;
	v1 =	vadd.f32 v1, v2  }
0x180: {  	s23 =	simm.s32 $0x13D00;
	p3 =	por $0x0, $0x0;
	s21 =	sor.u32 s31, s21  }
0x181: {  	s19 =	simm.s32 $0x13D00;
	p1 =	por $0x0, $0x0;
	s25 =	smov.u32 s21;
	[tilespmem:s20+$0x0] =	vst v1  }
0x182: {  	v1 =	vld [tilespmem:s21+$0x12C00]  }
0x183: {  	v2 =	vld [tilespmem:s19+$0x0];
	_ =	sdelay $0x1  }
0x184: {  	p4 =	por $0x1, $0x1  }
.Ltmp42:
0x185: {  	_ = 	snop;
	(pc) =	sbr.rel @!p4 .LBB2_66-.Ltmp42, $4  }
0x186: {  	_ = 	snop  }
0x187: {  	s20 =	simm.s32 $0x80;
	v1 =	vadd.f32 v1, v2  }
0x188: {  	s23 =	sand.u32 $0x70, s22;
	p3 =	por $0x1, $0x1;
	s24 =	sand.u32 $0x1C00, s20  }
0x189: {  	s25 =	sor.u32 s23, s24;
	s24 =	simm.s32 $0x20;
	s23 =	simm.s32 $0x13D00;
	[tilespmem:s19+$0x0] =	vst v1  }
.LBB2_67:
0x18a: {  	p4 =	sne.s32 s24, $0x270;
	v1 =	vld [tilespmem:s25+$0x12C00];
	s23 =	sadd.s32 $0x10, s23  }
0x18b: {  	v2 =	vld [tilespmem:s23+$0x0];
	_ =	sdelay $0x2  }
.Ltmp43:
0x18c: {  	(pc) =	sbr.rel @p4 .LBB2_67-.Ltmp43, $4  }
0x18d: {  	_ = 	snop  }
0x18e: {  	s20 =	sadd.s32 $0x80, s20;
	v1 =	vadd.f32 v1, v2  }
0x18f: {  	s25 =	sand.u32 $0x70, s24;
	s26 =	sand.u32 $0x1C00, s20  }
0x190: {  	s24 =	sadd.s32 $0x10, s24;
	s25 =	sor.u32 s25, s26;
	[tilespmem:s23+$0x0] =	vst v1  }
.LBB2_68:
0x191: {  	s20 =	sadd.s32 @p3 $0x10, s23;
	s23 =	simm.s32 $0x13D00  }
0x192: {  	v1 =	vld [tilespmem:s25+$0x12C00];
	s23 =	smov.u32 @p3 s20  }
0x193: {  	v2 =	vld [tilespmem:s23+$0x0];
	_ =	sdelay $0x2  }
.Ltmp44:
0x194: {  	_ = 	snop;
	(pc) =	sbr.rel @!p2 .LBB2_69-.Ltmp44, $3  }
0x195: {  	_ = 	snop  }
0x196: {  	v1 =	vadd.f32 v1, v2;
	_ =	sdelay $0x1  }
0x197: {  	[tilespmem:s23+$0x0] =	vst v1  }
0x198: {  	v1 =	vld [tilespmem:s21+$0x12C80]  }
0x199: {  	v2 =	vld [tilespmem:s19+$0x0];
	_ =	sdelay $0x1  }
0x19a: {  	p2 =	por $0x1, $0x1  }
.Ltmp45:
0x19b: {  	_ = 	snop;
	(pc) =	sbr.rel @!p2 .LBB2_71-.Ltmp45, $4  }
0x19c: {  	_ = 	snop  }
0x19d: {  	s20 =	simm.s32 $0x80;
	v1 =	vadd.f32 v1, v2  }
0x19e: {  	s30 =	sand.u32 $0x70, s22;
	s23 =	simm.s32 $0x20;
	s31 =	sand.u32 $0x1C00, s20  }
0x19f: {  	p1 =	por $0x1, $0x1;
	s22 =	simm.s32 $0x13D00;
	s21 =	sor.u32 s30, s31;
	[tilespmem:s19+$0x0] =	vst v1  }
.LBB2_72:
0x1a0: {  	p2 =	sne.s32 s23, $0x270;
	v1 =	vld [tilespmem:s21+$0x12C80];
	s22 =	sadd.s32 $0x10, s22  }
0x1a1: {  	v2 =	vld [tilespmem:s22+$0x0];
	_ =	sdelay $0x2  }
.Ltmp46:
0x1a2: {  	(pc) =	sbr.rel @p2 .LBB2_72-.Ltmp46, $4  }
0x1a3: {  	_ = 	snop  }
0x1a4: {  	s20 =	sadd.s32 $0x80, s20;
	v1 =	vadd.f32 v1, v2  }
0x1a5: {  	s21 =	sand.u32 $0x70, s23;
	s24 =	sand.u32 $0x1C00, s20  }
0x1a6: {  	s23 =	sadd.s32 $0x10, s23;
	s21 =	sor.u32 s21, s24;
	[tilespmem:s22+$0x0] =	vst v1  }
.LBB2_73:
0x1a7: {  	s20 =	sadd.s32 @p1 $0x10, s22  }
0x1a8: {  	v1 =	vld [tilespmem:s21+$0x12C80];
	s19 =	smov.u32 @p1 s20  }
0x1a9: {  	v2 =	vld [tilespmem:s19+$0x0];
	_ =	sdelay $0x4  }
0x1aa: {  	v1 =	vadd.f32 v1, v2  }
0x1ab: {  	s2 =	sadd.s32 $0x1, s2  }
0x1ac: {  	p1 =	sne.s32 s2, s9;
	[tilespmem:s19+$0x0] =	vst v1  }
0x1ad: {  	[hbm4b:s8+s11] =	stream.strided.scatter [tilespmem:s18], [sflag:$0x3], $0x280, s17, s11, $0x38;
	[tilespmem:$0x16780] =	vst v63  }
.Ltmp47:
0x1ae: {  	_ = 	snop;
	(pc) =	sbr.rel @p1 .LBB2_1-.Ltmp47, $4  }
.Ltmp48:
0x1af: {  	_ = 	snop;
	(pc) =	sbr.rel @!p1 .LBB2_74-.Ltmp48, $4  }
0x1b0: {  	_ =	swait.ge [sflag:s13], $0x280  }
0x1b1: {  	[sflag:s13] =	ssyncset.done $0x0  }
0x1b2: {  	[sflag:s13] =	ssyncadd.s32 $0xFFFFFD80  }
0x1b3: {  	_ = 	snop  }
.LBB2_14:
.Ltmp49:
0x1b4: {  	(pc) =	sbr.rel .LBB2_18-.Ltmp49, $2  }
0x1b5: {  	_ =	sdelay $0x2  }
0x1b6: {  	s21 =	simm.s32 $0x13D00  }
.LBB2_23:
.Ltmp50:
0x1b7: {  	(pc) =	sbr.rel .LBB2_27-.Ltmp50, $2  }
0x1b8: {  	_ =	sdelay $0x2  }
0x1b9: {  	s22 =	simm.s32 $0x13D00  }
.LBB2_28:
.Ltmp51:
0x1ba: {  	(pc) =	sbr.rel .LBB2_32-.Ltmp51, $2  }
0x1bb: {  	_ =	sdelay $0x2  }
0x1bc: {  	s23 =	simm.s32 $0x13D00;
	p3 =	por $0x0, $0x0  }
.LBB2_33:
.Ltmp52:
0x1bd: {  	(pc) =	sbr.rel .LBB2_37-.Ltmp52, $2  }
0x1be: {  	_ =	sdelay $0x2  }
0x1bf: {  	s20 =	simm.s32 $0x13D00  }
.LBB2_42:
.Ltmp53:
0x1c0: {  	(pc) =	sbr.rel .LBB2_46-.Ltmp53, $2  }
0x1c1: {  	_ =	sdelay $0x2  }
0x1c2: {  	s22 =	simm.s32 $0x13D00  }
.LBB2_51:
.Ltmp54:
0x1c3: {  	(pc) =	sbr.rel .LBB2_55-.Ltmp54, $2  }
0x1c4: {  	_ =	sdelay $0x2  }
0x1c5: {  	s22 =	simm.s32 $0x13D00  }
.LBB2_60:
.Ltmp55:
0x1c6: {  	(pc) =	sbr.rel .LBB2_64-.Ltmp55, $2  }
0x1c7: {  	_ =	sdelay $0x2  }
0x1c8: {  	s22 =	simm.s32 $0x13D00  }
.LBB2_69:
.Ltmp56:
0x1c9: {  	(pc) =	sbr.rel .LBB2_73-.Ltmp56, $2  }
0x1ca: {  	_ =	sdelay $0x2  }
0x1cb: {  	s22 =	simm.s32 $0x13D00  }
.LBB2_11:
.Ltmp57:
0x1cc: {  	(pc) =	sbr.rel .LBB2_13-.Ltmp57, $2  }
0x1cd: {  	_ =	sdelay $0x2  }
0x1ce: {  	s23 =	simm.s32 $0x13D00  }
.LBB2_16:
.Ltmp58:
0x1cf: {  	(pc) =	sbr.rel .LBB2_18-.Ltmp58, $2  }
0x1d0: {  	_ =	sdelay $0x2  }
0x1d1: {  	s21 =	simm.s32 $0x13D00  }
.LBB2_20:
.Ltmp59:
0x1d2: {  	(pc) =	sbr.rel .LBB2_22-.Ltmp59, $2  }
0x1d3: {  	_ =	sdelay $0x2  }
0x1d4: {  	s23 =	simm.s32 $0x13D00  }
.LBB2_25:
.Ltmp60:
0x1d5: {  	(pc) =	sbr.rel .LBB2_27-.Ltmp60, $2  }
0x1d6: {  	_ =	sdelay $0x2  }
0x1d7: {  	s22 =	simm.s32 $0x13D00  }
.LBB2_30:
.Ltmp61:
0x1d8: {  	(pc) =	sbr.rel .LBB2_32-.Ltmp61, $2  }
0x1d9: {  	_ =	sdelay $0x2  }
0x1da: {  	s23 =	simm.s32 $0x13D00  }
.LBB2_35:
.Ltmp62:
0x1db: {  	(pc) =	sbr.rel .LBB2_37-.Ltmp62, $2  }
0x1dc: {  	_ =	sdelay $0x2  }
0x1dd: {  	s20 =	simm.s32 $0x13D00  }
.LBB2_39:
.Ltmp63:
0x1de: {  	(pc) =	sbr.rel .LBB2_41-.Ltmp63, $2  }
0x1df: {  	_ =	sdelay $0x2  }
0x1e0: {  	s23 =	simm.s32 $0x13D00  }
.LBB2_44:
.Ltmp64:
0x1e1: {  	(pc) =	sbr.rel .LBB2_46-.Ltmp64, $2  }
0x1e2: {  	_ =	sdelay $0x2  }
0x1e3: {  	s22 =	simm.s32 $0x13D00  }
.LBB2_48:
.Ltmp65:
0x1e4: {  	(pc) =	sbr.rel .LBB2_50-.Ltmp65, $2  }
0x1e5: {  	_ =	sdelay $0x2  }
0x1e6: {  	s23 =	simm.s32 $0x13D00  }
.LBB2_53:
.Ltmp66:
0x1e7: {  	(pc) =	sbr.rel .LBB2_55-.Ltmp66, $2  }
0x1e8: {  	_ =	sdelay $0x2  }
0x1e9: {  	s22 =	simm.s32 $0x13D00  }
.LBB2_57:
.Ltmp67:
0x1ea: {  	(pc) =	sbr.rel .LBB2_59-.Ltmp67, $2  }
0x1eb: {  	_ =	sdelay $0x2  }
0x1ec: {  	s23 =	simm.s32 $0x13D00  }
.LBB2_62:
.Ltmp68:
0x1ed: {  	(pc) =	sbr.rel .LBB2_64-.Ltmp68, $2  }
0x1ee: {  	_ =	sdelay $0x2  }
0x1ef: {  	s22 =	simm.s32 $0x13D00  }
.LBB2_66:
.Ltmp69:
0x1f0: {  	(pc) =	sbr.rel .LBB2_68-.Ltmp69, $2  }
0x1f1: {  	_ =	sdelay $0x2  }
0x1f2: {  	s23 =	simm.s32 $0x13D00  }
.LBB2_71:
.Ltmp70:
0x1f3: {  	(pc) =	sbr.rel .LBB2_73-.Ltmp70, $2  }
0x1f4: {  	_ =	sdelay $0x2  }
0x1f5: {  	s22 =	simm.s32 $0x13D00  }
.LBB2_74:
0x1f6: {  	_ =	sfence.sel $0x180000  }
0x1f7: {  	[bflag:$0x0] =	sbarrier.arrive $0xFFFF  }
0x1f8: {  	p0 =	sne.s32 s0, $0x0;
	_ =	strace $0x90000047  }
0x1f9: {  	s0 =	sadd.s32 @!p0 $0x100000, s1;
	[bflag:$0x2] =	sbarrier.arrive $0xFFFF  }
0x1fa: {  	[sflag:s0] =	ssyncadd.tile.s32 @!p0 $0x1;
	_ =	shalt  }
.Lfunc_end2:
_tile_overlayer_lowered:
.L_overlay_start_2:
0x1fb: {  	(tag) =	ssettag $0x2  }
0x1fc: {  	s0 =	rddreg [dreg:$0x0];
	s2 =	stileid.u32  }
0x1fd: {  	s1 =	rddreg [dreg:$0x1];
	p0 =	sne.s32 s2, $0x0  }
0x1fe: {  	s3 =	rddreg [dreg:$0x2];
	[bflag:$0x3] =	sbarrier.arrive $0xFFFF;
	s2 =	simm.s32 @!p0 $0x1C03  }
0x1ff: {  	[timem:s3], [sflag:s2] =	dma.local @!p0 [hbm:s0], s1  }
0x200: {  	s0 =	simm.s32 @!p0 $0x3  }
0x201: {  	_ =	swait.ge @!p0 [sflag:s0], s1  }
0x202: {  	s1 =	ssub.s32 @!p0 $0x0, s1;
	[sflag:s0] =	ssyncset.done @!p0 $0x0  }
0x203: {  	[sflag:s0] =	ssyncadd.s32 @!p0 s1  }
0x204: {  	[bflag:$0x3] =	sbarrier.arrive $0xFFFF  }
0x205: {  	_ =	shalt  }

</sc_bundles>
